<compile_context>
chip_gen: v7x
topology: tpu7x:2x2x1
jax: 0.10.2.dev20260603
libtpu: 0.0.44.dev20260713+nightly
codegen_flags: <defaults>
</compile_context>

<pallas_src>
import functools

import jax
import jax.numpy as jnp
import numpy as np
from jax import lax
from jax.experimental import pallas as pl
from jax.experimental.pallas import tpu as pltpu
from jax.experimental.pallas import tpu_sc as plsc

N = 100000
IN_DIM = 128
MASK_RATE = 0.5
REPLACE_RATE = 0.05

NC = 2
NS = 16
NW = NC * NS
CHUNK = 128


def _threefry2x32_np(k1, k2, x1, x2):
    u32 = np.uint32

    def rotl(x, d):
        return (x << u32(d)) | (x >> u32(32 - d))

    def rounds(x0, x1, rots):
        for r in rots:
            x0 = x0 + x1
            x1 = x0 ^ rotl(x1, r)
        return x0, x1

    ra, rb = (13, 15, 26, 6), (17, 29, 16, 24)
    ks = (u32(k1), u32(k2), u32(k1) ^ u32(k2) ^ u32(0x1BD11BDA))
    x0 = x1_ = None
    x0, x1_ = u32(x1) + ks[0], u32(x2) + ks[1]
    x0, x1_ = rounds(x0, x1_, ra)
    x0, x1_ = x0 + ks[1], x1_ + ks[2] + u32(1)
    x0, x1_ = rounds(x0, x1_, rb)
    x0, x1_ = x0 + ks[2], x1_ + ks[0] + u32(2)
    x0, x1_ = rounds(x0, x1_, ra)
    x0, x1_ = x0 + ks[0], x1_ + ks[1] + u32(3)
    x0, x1_ = rounds(x0, x1_, rb)
    x0, x1_ = x0 + ks[1], x1_ + ks[2] + u32(4)
    x0, x1_ = rounds(x0, x1_, ra)
    x0, x1_ = x0 + ks[2], x1_ + ks[0] + u32(5)
    return x0, x1_


def _np_split(key, num):
    hi = np.zeros(num, np.uint32)
    lo = np.arange(num, dtype=np.uint32)
    b1, b2 = _threefry2x32_np(key[0], key[1], hi, lo)
    return [(b1[i], b2[i]) for i in range(num)]


def _np_random_bits32(key, n):
    hi = np.zeros(n, np.uint32)
    lo = np.arange(n, dtype=np.uint32)
    b1, b2 = _threefry2x32_np(key[0], key[1], hi, lo)
    return b1 ^ b2


def _np_permutation(key, n):
    exponent = 3
    num_rounds = int(np.ceil(exponent * np.log(max(1, n))
                             / np.log(np.iinfo(np.uint32).max)))
    x = np.arange(n, dtype=np.int32)
    for _ in range(num_rounds):
        key, subkey = _np_split(key, 2)
        sort_keys = _np_random_bits32(subkey, n)
        x = x[np.argsort(sort_keys, kind="stable")]
    return x


def _build_index_constants():
    rk = (np.uint32(0), np.uint32(42))
    k1, k2, k3 = _np_split(rk, 3)
    perm = _np_permutation(k1, N)
    num_mask = int(MASK_RATE * N)
    num_noise = int(REPLACE_RATE * num_mask)
    perm_mask = _np_permutation(k2, num_mask)
    noise_src = _np_permutation(k3, N)[:num_noise]
    mask_nodes = perm[:num_mask]
    keep_nodes = perm[num_mask:]
    token_nodes = mask_nodes[perm_mask[:-num_noise]]
    noise_nodes = mask_nodes[perm_mask[-num_noise:]]

    cdst = np.concatenate([keep_nodes, noise_nodes])
    csrc = np.concatenate([keep_nodes, noise_src])
    order = np.argsort(cdst, kind="stable")
    cdst, csrc = cdst[order], csrc[order]

    tdst = np.sort(token_nodes)

    def partition_pad(dst, src, workers, chunk):
        n = len(dst)
        base, rem = divmod(n, workers)
        per_w = -(-(base + 1) // chunk) * chunk
        out_d = np.empty((workers, per_w // chunk, chunk), np.int32)
        out_s = np.empty_like(out_d)
        pos = 0
        for w in range(workers):
            take = base + (1 if w < rem else 0)
            d = dst[pos:pos + take]
            s = src[pos:pos + take]
            pos += take
            pad = per_w - take
            d = np.concatenate([d, np.full(pad, d[-1], d.dtype)])
            s = np.concatenate([s, np.full(pad, s[-1], s.dtype)])
            out_d[w] = d.reshape(-1, chunk)
            out_s[w] = s.reshape(-1, chunk)
        return out_d, out_s

    cdst_w, csrc_w = partition_pad(cdst, csrc, NW, CHUNK)
    tdst_w, _ = partition_pad(tdst, tdst, NW, CHUNK)

    return (mask_nodes.astype(np.int32), keep_nodes.astype(np.int32),
            cdst_w, csrc_w, tdst_w)


(_MASK_NODES, _KEEP_NODES, _CDST, _CSRC, _TDST) = _build_index_constants()
_C_CHUNKS = _CDST.shape[1]
_T_CHUNKS = _TDST.shape[1]


def _sc_body(x_hbm, tok_hbm, csrc_hbm, cdst_hbm, tdst_hbm, out_hbm,
             csrc_v, cdst_v, tdst_v, rows0_v, rows1_v, tok_v,
             gsem, ssem, tsem):
    w = lax.axis_index("s") * NC + lax.axis_index("c")

    pltpu.sync_copy(csrc_hbm.at[w], csrc_v)
    pltpu.sync_copy(cdst_hbm.at[w], cdst_v)
    pltpu.sync_copy(tdst_hbm.at[w], tdst_v)
    pltpu.sync_copy(tok_hbm, tok_v)

    tok_copies = [
        pltpu.async_copy(tok_v, out_hbm.at[tdst_v.at[j]], tsem)
        for j in range(_T_CHUNKS)
    ]

    bufs = (rows0_v, rows1_v)
    gather = [None] * _C_CHUNKS
    scatter = [None] * _C_CHUNKS
    gather[0] = pltpu.async_copy(x_hbm.at[csrc_v.at[0]], bufs[0], gsem)
    for j in range(_C_CHUNKS):
        buf = bufs[j % 2]
        gather[j].wait()
        if j + 1 < _C_CHUNKS:
            if j >= 1:
                scatter[j - 1].wait()
            gather[j + 1] = pltpu.async_copy(
                x_hbm.at[csrc_v.at[j + 1]], bufs[(j + 1) % 2], gsem)
        scatter[j] = pltpu.async_copy(buf, out_hbm.at[cdst_v.at[j]], ssem)
    scatter[_C_CHUNKS - 1].wait()
    if _C_CHUNKS >= 2:
        scatter[_C_CHUNKS - 2].wait()
    for c in tok_copies:
        c.wait()


@functools.partial(jax.jit, static_argnames=())
def _sc_call(x, tok_block, csrc, cdst, tdst):
    mesh = plsc.VectorSubcoreMesh(
        core_axis_name="c", subcore_axis_name="s",
        num_cores=NC, num_subcores=NS)
    f = pl.kernel(
        _sc_body,
        out_type=jax.ShapeDtypeStruct((N, IN_DIM), jnp.float32),
        mesh=mesh,
        scratch_types=[
            pltpu.VMEM((_C_CHUNKS, CHUNK), jnp.int32),
            pltpu.VMEM((_C_CHUNKS, CHUNK), jnp.int32),
            pltpu.VMEM((_T_CHUNKS, CHUNK), jnp.int32),
            pltpu.VMEM((CHUNK, IN_DIM), jnp.float32),
            pltpu.VMEM((CHUNK, IN_DIM), jnp.float32),
            pltpu.VMEM((CHUNK, IN_DIM), jnp.float32),
            pltpu.SemaphoreType.DMA,
            pltpu.SemaphoreType.DMA,
            pltpu.SemaphoreType.DMA,
        ],
    )
    return f(x, tok_block, csrc, cdst, tdst)


def kernel(x, enc_mask_token):
    tok_block = jnp.tile(enc_mask_token.astype(jnp.float32), (CHUNK, 1))
    out = _sc_call(
        x,
        tok_block,
        jnp.asarray(_CSRC),
        jnp.asarray(_CDST),
        jnp.asarray(_TDST),
    )
    return (out, jnp.asarray(_MASK_NODES), jnp.asarray(_KEEP_NODES))

# --- scband reference (transcript-rebuilt; emitter-appended) ---
"""Pipeline reference for scband-encoding-mask-noise-21311627723509 (READ-ONLY COPY).

The authoritative reference and input builder live on the scoring server;
editing this copy changes nothing except your own understanding.
"""

import jax, jax.numpy as jnp
import numpy as np

N = 100000
IN_DIM = 128
MASK_RATE = 0.5
REPLACE_RATE = 0.05


def setup_inputs(seed: int = 0) -> dict:
    key = jax.random.key(seed)
    kx, kt = jax.random.split(key)
    x = jax.random.normal(kx, (N, IN_DIM), dtype=jnp.float32)
    # xavier_normal_ with gain=1.414 on shape (1, IN_DIM): std = gain*sqrt(2/(fan_in+fan_out))
    std = 1.414 * np.sqrt(2.0 / (1 + IN_DIM))
    enc_mask_token = jax.random.normal(kt, (1, IN_DIM), dtype=jnp.float32) * std
    return {"x": x, "enc_mask_token": enc_mask_token}


def reference(x, enc_mask_token):
    num_nodes = x.shape[0]
    # randomness of the torch module is replicated with a fixed jax key
    rk = jax.random.key(42)
    k1, k2, k3 = jax.random.split(rk, 3)
    perm = jax.random.permutation(k1, num_nodes)
    num_mask_nodes = int(MASK_RATE * num_nodes)
    mask_nodes = perm[:num_mask_nodes]
    keep_nodes = perm[num_mask_nodes:]
    # replace_rate > 0 branch
    num_noise_nodes = int(REPLACE_RATE * num_mask_nodes)
    perm_mask = jax.random.permutation(k2, num_mask_nodes)
    token_nodes = mask_nodes[perm_mask[:-num_noise_nodes]]
    noise_nodes = mask_nodes[perm_mask[-num_noise_nodes:]]
    noise_to_be_chosen = jax.random.permutation(k3, num_nodes)[:num_noise_nodes]
    out_x = x
    out_x = out_x.at[token_nodes].set(0.0)
    out_x = out_x.at[noise_nodes].set(x[noise_to_be_chosen])
    out_x = out_x.at[token_nodes].add(enc_mask_token)
    return (out_x, mask_nodes, keep_nodes)

if __name__ == "__main__":
    import jax
    _d = setup_inputs()
    print(jax.jit(kernel)(*tuple(_d.values())))

</pallas_src>

<mosaic_0001>
#map = affine_map<(d0, d1) -> (0, 0)>
#map1 = affine_map<(d0, d1) -> (0, 0, 0)>
module attributes {stable_mosaic.version = 14 : i64} {
  func.func @_sc_body(%arg0: i32, %arg1: i32, %arg2: memref<100000x128xf32, #tpu.memory_space<hbm>>, %arg3: memref<128x128xf32, #tpu.memory_space<hbm>>, %arg4: memref<32x13x128xi32, #tpu.memory_space<hbm>>, %arg5: memref<32x13x128xi32, #tpu.memory_space<hbm>>, %arg6: memref<32x12x128xi32, #tpu.memory_space<hbm>>, %arg7: memref<100000x128xf32, #tpu.memory_space<hbm>>, %arg8: memref<13x128xi32, #tpu.memory_space<vmem>>, %arg9: memref<13x128xi32, #tpu.memory_space<vmem>>, %arg10: memref<12x128xi32, #tpu.memory_space<vmem>>, %arg11: memref<128x128xf32, #tpu.memory_space<vmem>>, %arg12: memref<128x128xf32, #tpu.memory_space<vmem>>, %arg13: memref<128x128xf32, #tpu.memory_space<vmem>>, %arg14: memref<!tpu.dma_semaphore, #tpu.memory_space<semaphore_mem>>, %arg15: memref<!tpu.dma_semaphore, #tpu.memory_space<semaphore_mem>>, %arg16: memref<!tpu.dma_semaphore, #tpu.memory_space<semaphore_mem>>) attributes {dimension_semantics = [#tpu.dimension_semantics<core_parallel>, #tpu.dimension_semantics<subcore_parallel>], iteration_bounds = array<i64: 2, 16>, scalar_prefetch = 0 : i64, scratch_operands = 9 : i64, tpu.core_type = #tpu.core_type<sc_vector_subcore>, window_params = [{transform_indices = #map}, {transform_indices = #map}, {transform_indices = #map1}, {transform_indices = #map1}, {transform_indices = #map1}, {transform_indices = #map}]} {
    %mul3A = arith.constant 2 : i32
    %mul3A_0 = arith.muli %arg1, %mul3A : i32
    %add3A = arith.addi %mul3A_0, %arg0 : i32
    "tpu.region"() ({
      %run_scoped3A = tpu.sem_alloc : memref<!tpu.dma_semaphore, #tpu.memory_space<semaphore_mem>>
      %dma_start3A_531 = arith.constant 0 : i32
      %dma_start3A_532 = arith.constant 0 : i32
      %dma_start3A_533 = tpu.memref_slice %arg4[%add3A, %dma_start3A_531, %dma_start3A_532] : memref<32x13x128xi32, #tpu.memory_space<hbm>> -> memref<1x13x128xi32, #tpu.memory_space<hbm>>
      %dma_start3A_534 = tpu.memref_squeeze %dma_start3A_533 : memref<1x13x128xi32, #tpu.memory_space<hbm>> -> memref<13x128xi32, #tpu.memory_space<hbm>>
      %dma_start3A_535 = arith.constant 0 : i32
      %dma_start3A_536 = arith.constant 0 : i32
      %dma_start3A_537 = tpu.memref_slice %arg4[%add3A, %dma_start3A_535, %dma_start3A_536] : memref<32x13x128xi32, #tpu.memory_space<hbm>> -> memref<1x13x128xi32, #tpu.memory_space<hbm>>
      %dma_start3A_538 = tpu.memref_squeeze %dma_start3A_537 : memref<1x13x128xi32, #tpu.memory_space<hbm>> -> memref<13x128xi32, #tpu.memory_space<hbm>>
      tpu.enqueue_dma source(%dma_start3A_538 : memref<13x128xi32, #tpu.memory_space<hbm>>) target(%arg8 : memref<13x128xi32, #tpu.memory_space<vmem>>) target_semaphore(%run_scoped3A : memref<!tpu.dma_semaphore, #tpu.memory_space<semaphore_mem>>)
      %dma_wait3A_539 = arith.constant 0 : i32
      %dma_wait3A_540 = arith.constant 0 : i32
      %dma_wait3A_541 = tpu.memref_slice %arg4[%add3A, %dma_wait3A_539, %dma_wait3A_540] : memref<32x13x128xi32, #tpu.memory_space<hbm>> -> memref<1x13x128xi32, #tpu.memory_space<hbm>>
      %dma_wait3A_542 = tpu.memref_squeeze %dma_wait3A_541 : memref<1x13x128xi32, #tpu.memory_space<hbm>> -> memref<13x128xi32, #tpu.memory_space<hbm>>
      %dma_wait3A_543 = arith.constant 0 : i32
      %dma_wait3A_544 = arith.constant 0 : i32
      %dma_wait3A_545 = tpu.memref_slice %arg4[%add3A, %dma_wait3A_543, %dma_wait3A_544] : memref<32x13x128xi32, #tpu.memory_space<hbm>> -> memref<1x13x128xi32, #tpu.memory_space<hbm>>
      %dma_wait3A_546 = tpu.memref_squeeze %dma_wait3A_545 : memref<1x13x128xi32, #tpu.memory_space<hbm>> -> memref<13x128xi32, #tpu.memory_space<hbm>>
      tpu.wait_dma2 semaphore(%run_scoped3A : memref<!tpu.dma_semaphore, #tpu.memory_space<semaphore_mem>>) src(%dma_wait3A_546 : memref<13x128xi32, #tpu.memory_space<hbm>>) dst(%arg8 : memref<13x128xi32, #tpu.memory_space<vmem>>)
      tpu.yield
    }) : () -> ()
    "tpu.region"() ({
      %run_scoped3A = tpu.sem_alloc : memref<!tpu.dma_semaphore, #tpu.memory_space<semaphore_mem>>
      %dma_start3A_531 = arith.constant 0 : i32
      %dma_start3A_532 = arith.constant 0 : i32
      %dma_start3A_533 = tpu.memref_slice %arg5[%add3A, %dma_start3A_531, %dma_start3A_532] : memref<32x13x128xi32, #tpu.memory_space<hbm>> -> memref<1x13x128xi32, #tpu.memory_space<hbm>>
      %dma_start3A_534 = tpu.memref_squeeze %dma_start3A_533 : memref<1x13x128xi32, #tpu.memory_space<hbm>> -> memref<13x128xi32, #tpu.memory_space<hbm>>
      %dma_start3A_535 = arith.constant 0 : i32
      %dma_start3A_536 = arith.constant 0 : i32
      %dma_start3A_537 = tpu.memref_slice %arg5[%add3A, %dma_start3A_535, %dma_start3A_536] : memref<32x13x128xi32, #tpu.memory_space<hbm>> -> memref<1x13x128xi32, #tpu.memory_space<hbm>>
      %dma_start3A_538 = tpu.memref_squeeze %dma_start3A_537 : memref<1x13x128xi32, #tpu.memory_space<hbm>> -> memref<13x128xi32, #tpu.memory_space<hbm>>
      tpu.enqueue_dma source(%dma_start3A_538 : memref<13x128xi32, #tpu.memory_space<hbm>>) target(%arg9 : memref<13x128xi32, #tpu.memory_space<vmem>>) target_semaphore(%run_scoped3A : memref<!tpu.dma_semaphore, #tpu.memory_space<semaphore_mem>>)
      %dma_wait3A_539 = arith.constant 0 : i32
      %dma_wait3A_540 = arith.constant 0 : i32
      %dma_wait3A_541 = tpu.memref_slice %arg5[%add3A, %dma_wait3A_539, %dma_wait3A_540] : memref<32x13x128xi32, #tpu.memory_space<hbm>> -> memref<1x13x128xi32, #tpu.memory_space<hbm>>
      %dma_wait3A_542 = tpu.memref_squeeze %dma_wait3A_541 : memref<1x13x128xi32, #tpu.memory_space<hbm>> -> memref<13x128xi32, #tpu.memory_space<hbm>>
      %dma_wait3A_543 = arith.constant 0 : i32
      %dma_wait3A_544 = arith.constant 0 : i32
      %dma_wait3A_545 = tpu.memref_slice %arg5[%add3A, %dma_wait3A_543, %dma_wait3A_544] : memref<32x13x128xi32, #tpu.memory_space<hbm>> -> memref<1x13x128xi32, #tpu.memory_space<hbm>>
      %dma_wait3A_546 = tpu.memref_squeeze %dma_wait3A_545 : memref<1x13x128xi32, #tpu.memory_space<hbm>> -> memref<13x128xi32, #tpu.memory_space<hbm>>
      tpu.wait_dma2 semaphore(%run_scoped3A : memref<!tpu.dma_semaphore, #tpu.memory_space<semaphore_mem>>) src(%dma_wait3A_546 : memref<13x128xi32, #tpu.memory_space<hbm>>) dst(%arg9 : memref<13x128xi32, #tpu.memory_space<vmem>>)
      tpu.yield
    }) : () -> ()
    "tpu.region"() ({
      %run_scoped3A = tpu.sem_alloc : memref<!tpu.dma_semaphore, #tpu.memory_space<semaphore_mem>>
      %dma_start3A_531 = arith.constant 0 : i32
      %dma_start3A_532 = arith.constant 0 : i32
      %dma_start3A_533 = tpu.memref_slice %arg6[%add3A, %dma_start3A_531, %dma_start3A_532] : memref<32x12x128xi32, #tpu.memory_space<hbm>> -> memref<1x12x128xi32, #tpu.memory_space<hbm>>
      %dma_start3A_534 = tpu.memref_squeeze %dma_start3A_533 : memref<1x12x128xi32, #tpu.memory_space<hbm>> -> memref<12x128xi32, #tpu.memory_space<hbm>>
      %dma_start3A_535 = arith.constant 0 : i32
      %dma_start3A_536 = arith.constant 0 : i32
      %dma_start3A_537 = tpu.memref_slice %arg6[%add3A, %dma_start3A_535, %dma_start3A_536] : memref<32x12x128xi32, #tpu.memory_space<hbm>> -> memref<1x12x128xi32, #tpu.memory_space<hbm>>
      %dma_start3A_538 = tpu.memref_squeeze %dma_start3A_537 : memref<1x12x128xi32, #tpu.memory_space<hbm>> -> memref<12x128xi32, #tpu.memory_space<hbm>>
      tpu.enqueue_dma source(%dma_start3A_538 : memref<12x128xi32, #tpu.memory_space<hbm>>) target(%arg10 : memref<12x128xi32, #tpu.memory_space<vmem>>) target_semaphore(%run_scoped3A : memref<!tpu.dma_semaphore, #tpu.memory_space<semaphore_mem>>)
      %dma_wait3A_539 = arith.constant 0 : i32
      %dma_wait3A_540 = arith.constant 0 : i32
      %dma_wait3A_541 = tpu.memref_slice %arg6[%add3A, %dma_wait3A_539, %dma_wait3A_540] : memref<32x12x128xi32, #tpu.memory_space<hbm>> -> memref<1x12x128xi32, #tpu.memory_space<hbm>>
      %dma_wait3A_542 = tpu.memref_squeeze %dma_wait3A_541 : memref<1x12x128xi32, #tpu.memory_space<hbm>> -> memref<12x128xi32, #tpu.memory_space<hbm>>
      %dma_wait3A_543 = arith.constant 0 : i32
      %dma_wait3A_544 = arith.constant 0 : i32
      %dma_wait3A_545 = tpu.memref_slice %arg6[%add3A, %dma_wait3A_543, %dma_wait3A_544] : memref<32x12x128xi32, #tpu.memory_space<hbm>> -> memref<1x12x128xi32, #tpu.memory_space<hbm>>
      %dma_wait3A_546 = tpu.memref_squeeze %dma_wait3A_545 : memref<1x12x128xi32, #tpu.memory_space<hbm>> -> memref<12x128xi32, #tpu.memory_space<hbm>>
      tpu.wait_dma2 semaphore(%run_scoped3A : memref<!tpu.dma_semaphore, #tpu.memory_space<semaphore_mem>>) src(%dma_wait3A_546 : memref<12x128xi32, #tpu.memory_space<hbm>>) dst(%arg10 : memref<12x128xi32, #tpu.memory_space<vmem>>)
      tpu.yield
    }) : () -> ()
    "tpu.region"() ({
      %run_scoped3A = tpu.sem_alloc : memref<!tpu.dma_semaphore, #tpu.memory_space<semaphore_mem>>
      tpu.enqueue_dma source(%arg3 : memref<128x128xf32, #tpu.memory_space<hbm>>) target(%arg13 : memref<128x128xf32, #tpu.memory_space<vmem>>) target_semaphore(%run_scoped3A : memref<!tpu.dma_semaphore, #tpu.memory_space<semaphore_mem>>)
      tpu.wait_dma2 semaphore(%run_scoped3A : memref<!tpu.dma_semaphore, #tpu.memory_space<semaphore_mem>>) src(%arg3 : memref<128x128xf32, #tpu.memory_space<hbm>>) dst(%arg13 : memref<128x128xf32, #tpu.memory_space<vmem>>)
      tpu.yield
    }) : () -> ()
    %dma_start3A = arith.constant 0 : i32
    %dma_start3A_1 = arith.constant 0 : i32
    %dma_start3A_2 = tpu.memref_slice %arg10[%dma_start3A, %dma_start3A_1] : memref<12x128xi32, #tpu.memory_space<vmem>> -> memref<1x128xi32, #tpu.memory_space<vmem>>
    %dma_start3A_3 = tpu.memref_squeeze %dma_start3A_2 : memref<1x128xi32, #tpu.memory_space<vmem>> -> memref<128xi32, #tpu.memory_space<vmem>>
    %dma_start3A_4 = arith.constant 0 : i32
    %dma_start3A_5 = arith.constant 0 : i32
    %dma_start3A_6 = tpu.memref_slice %arg7[%dma_start3A_4, %dma_start3A_5] : memref<100000x128xf32, #tpu.memory_space<hbm>> -> memref<100000x128xf32, #tpu.memory_space<hbm>>
    tpu.enqueue_indirect_dma source(%arg13 : memref<128x128xf32, #tpu.memory_space<vmem>>) target(%dma_start3A_6 : memref<100000x128xf32, #tpu.memory_space<hbm>>) offsets(%dma_start3A_3 : memref<128xi32, #tpu.memory_space<vmem>>) semaphore(%arg16 : memref<!tpu.dma_semaphore, #tpu.memory_space<semaphore_mem>>)
    %dma_start3A_7 = arith.constant 1 : i32
    %dma_start3A_8 = arith.constant 0 : i32
    %dma_start3A_9 = tpu.memref_slice %arg10[%dma_start3A_7, %dma_start3A_8] : memref<12x128xi32, #tpu.memory_space<vmem>> -> memref<1x128xi32, #tpu.memory_space<vmem>>
    %dma_start3A_10 = tpu.memref_squeeze %dma_start3A_9 : memref<1x128xi32, #tpu.memory_space<vmem>> -> memref<128xi32, #tpu.memory_space<vmem>>
    %dma_start3A_11 = arith.constant 0 : i32
    %dma_start3A_12 = arith.constant 0 : i32
    %dma_start3A_13 = tpu.memref_slice %arg7[%dma_start3A_11, %dma_start3A_12] : memref<100000x128xf32, #tpu.memory_space<hbm>> -> memref<100000x128xf32, #tpu.memory_space<hbm>>
    tpu.enqueue_indirect_dma source(%arg13 : memref<128x128xf32, #tpu.memory_space<vmem>>) target(%dma_start3A_13 : memref<100000x128xf32, #tpu.memory_space<hbm>>) offsets(%dma_start3A_10 : memref<128xi32, #tpu.memory_space<vmem>>) semaphore(%arg16 : memref<!tpu.dma_semaphore, #tpu.memory_space<semaphore_mem>>)
    %dma_start3A_14 = arith.constant 2 : i32
    %dma_start3A_15 = arith.constant 0 : i32
    %dma_start3A_16 = tpu.memref_slice %arg10[%dma_start3A_14, %dma_start3A_15] : memref<12x128xi32, #tpu.memory_space<vmem>> -> memref<1x128xi32, #tpu.memory_space<vmem>>
    %dma_start3A_17 = tpu.memref_squeeze %dma_start3A_16 : memref<1x128xi32, #tpu.memory_space<vmem>> -> memref<128xi32, #tpu.memory_space<vmem>>
    %dma_start3A_18 = arith.constant 0 : i32
    %dma_start3A_19 = arith.constant 0 : i32
    %dma_start3A_20 = tpu.memref_slice %arg7[%dma_start3A_18, %dma_start3A_19] : memref<100000x128xf32, #tpu.memory_space<hbm>> -> memref<100000x128xf32, #tpu.memory_space<hbm>>
    tpu.enqueue_indirect_dma source(%arg13 : memref<128x128xf32, #tpu.memory_space<vmem>>) target(%dma_start3A_20 : memref<100000x128xf32, #tpu.memory_space<hbm>>) offsets(%dma_start3A_17 : memref<128xi32, #tpu.memory_space<vmem>>) semaphore(%arg16 : memref<!tpu.dma_semaphore, #tpu.memory_space<semaphore_mem>>)
    %dma_start3A_21 = arith.constant 3 : i32
    %dma_start3A_22 = arith.constant 0 : i32
    %dma_start3A_23 = tpu.memref_slice %arg10[%dma_start3A_21, %dma_start3A_22] : memref<12x128xi32, #tpu.memory_space<vmem>> -> memref<1x128xi32, #tpu.memory_space<vmem>>
    %dma_start3A_24 = tpu.memref_squeeze %dma_start3A_23 : memref<1x128xi32, #tpu.memory_space<vmem>> -> memref<128xi32, #tpu.memory_space<vmem>>
    %dma_start3A_25 = arith.constant 0 : i32
    %dma_start3A_26 = arith.constant 0 : i32
    %dma_start3A_27 = tpu.memref_slice %arg7[%dma_start3A_25, %dma_start3A_26] : memref<100000x128xf32, #tpu.memory_space<hbm>> -> memref<100000x128xf32, #tpu.memory_space<hbm>>
    tpu.enqueue_indirect_dma source(%arg13 : memref<128x128xf32, #tpu.memory_space<vmem>>) target(%dma_start3A_27 : memref<100000x128xf32, #tpu.memory_space<hbm>>) offsets(%dma_start3A_24 : memref<128xi32, #tpu.memory_space<vmem>>) semaphore(%arg16 : memref<!tpu.dma_semaphore, #tpu.memory_space<semaphore_mem>>)
    %dma_start3A_28 = arith.constant 4 : i32
    %dma_start3A_29 = arith.constant 0 : i32
    %dma_start3A_30 = tpu.memref_slice %arg10[%dma_start3A_28, %dma_start3A_29] : memref<12x128xi32, #tpu.memory_space<vmem>> -> memref<1x128xi32, #tpu.memory_space<vmem>>
    %dma_start3A_31 = tpu.memref_squeeze %dma_start3A_30 : memref<1x128xi32, #tpu.memory_space<vmem>> -> memref<128xi32, #tpu.memory_space<vmem>>
    %dma_start3A_32 = arith.constant 0 : i32
    %dma_start3A_33 = arith.constant 0 : i32
    %dma_start3A_34 = tpu.memref_slice %arg7[%dma_start3A_32, %dma_start3A_33] : memref<100000x128xf32, #tpu.memory_space<hbm>> -> memref<100000x128xf32, #tpu.memory_space<hbm>>
    tpu.enqueue_indirect_dma source(%arg13 : memref<128x128xf32, #tpu.memory_space<vmem>>) target(%dma_start3A_34 : memref<100000x128xf32, #tpu.memory_space<hbm>>) offsets(%dma_start3A_31 : memref<128xi32, #tpu.memory_space<vmem>>) semaphore(%arg16 : memref<!tpu.dma_semaphore, #tpu.memory_space<semaphore_mem>>)
    %dma_start3A_35 = arith.constant 5 : i32
    %dma_start3A_36 = arith.constant 0 : i32
    %dma_start3A_37 = tpu.memref_slice %arg10[%dma_start3A_35, %dma_start3A_36] : memref<12x128xi32, #tpu.memory_space<vmem>> -> memref<1x128xi32, #tpu.memory_space<vmem>>
    %dma_start3A_38 = tpu.memref_squeeze %dma_start3A_37 : memref<1x128xi32, #tpu.memory_space<vmem>> -> memref<128xi32, #tpu.memory_space<vmem>>
    %dma_start3A_39 = arith.constant 0 : i32
    %dma_start3A_40 = arith.constant 0 : i32
    %dma_start3A_41 = tpu.memref_slice %arg7[%dma_start3A_39, %dma_start3A_40] : memref<100000x128xf32, #tpu.memory_space<hbm>> -> memref<100000x128xf32, #tpu.memory_space<hbm>>
    tpu.enqueue_indirect_dma source(%arg13 : memref<128x128xf32, #tpu.memory_space<vmem>>) target(%dma_start3A_41 : memref<100000x128xf32, #tpu.memory_space<hbm>>) offsets(%dma_start3A_38 : memref<128xi32, #tpu.memory_space<vmem>>) semaphore(%arg16 : memref<!tpu.dma_semaphore, #tpu.memory_space<semaphore_mem>>)
    %dma_start3A_42 = arith.constant 6 : i32
    %dma_start3A_43 = arith.constant 0 : i32
    %dma_start3A_44 = tpu.memref_slice %arg10[%dma_start3A_42, %dma_start3A_43] : memref<12x128xi32, #tpu.memory_space<vmem>> -> memref<1x128xi32, #tpu.memory_space<vmem>>
    %dma_start3A_45 = tpu.memref_squeeze %dma_start3A_44 : memref<1x128xi32, #tpu.memory_space<vmem>> -> memref<128xi32, #tpu.memory_space<vmem>>
    %dma_start3A_46 = arith.constant 0 : i32
    %dma_start3A_47 = arith.constant 0 : i32
    %dma_start3A_48 = tpu.memref_slice %arg7[%dma_start3A_46, %dma_start3A_47] : memref<100000x128xf32, #tpu.memory_space<hbm>> -> memref<100000x128xf32, #tpu.memory_space<hbm>>
    tpu.enqueue_indirect_dma source(%arg13 : memref<128x128xf32, #tpu.memory_space<vmem>>) target(%dma_start3A_48 : memref<100000x128xf32, #tpu.memory_space<hbm>>) offsets(%dma_start3A_45 : memref<128xi32, #tpu.memory_space<vmem>>) semaphore(%arg16 : memref<!tpu.dma_semaphore, #tpu.memory_space<semaphore_mem>>)
    %dma_start3A_49 = arith.constant 7 : i32
    %dma_start3A_50 = arith.constant 0 : i32
    %dma_start3A_51 = tpu.memref_slice %arg10[%dma_start3A_49, %dma_start3A_50] : memref<12x128xi32, #tpu.memory_space<vmem>> -> memref<1x128xi32, #tpu.memory_space<vmem>>
    %dma_start3A_52 = tpu.memref_squeeze %dma_start3A_51 : memref<1x128xi32, #tpu.memory_space<vmem>> -> memref<128xi32, #tpu.memory_space<vmem>>
    %dma_start3A_53 = arith.constant 0 : i32
    %dma_start3A_54 = arith.constant 0 : i32
    %dma_start3A_55 = tpu.memref_slice %arg7[%dma_start3A_53, %dma_start3A_54] : memref<100000x128xf32, #tpu.memory_space<hbm>> -> memref<100000x128xf32, #tpu.memory_space<hbm>>
    tpu.enqueue_indirect_dma source(%arg13 : memref<128x128xf32, #tpu.memory_space<vmem>>) target(%dma_start3A_55 : memref<100000x128xf32, #tpu.memory_space<hbm>>) offsets(%dma_start3A_52 : memref<128xi32, #tpu.memory_space<vmem>>) semaphore(%arg16 : memref<!tpu.dma_semaphore, #tpu.memory_space<semaphore_mem>>)
    %dma_start3A_56 = arith.constant 8 : i32
    %dma_start3A_57 = arith.constant 0 : i32
    %dma_start3A_58 = tpu.memref_slice %arg10[%dma_start3A_56, %dma_start3A_57] : memref<12x128xi32, #tpu.memory_space<vmem>> -> memref<1x128xi32, #tpu.memory_space<vmem>>
    %dma_start3A_59 = tpu.memref_squeeze %dma_start3A_58 : memref<1x128xi32, #tpu.memory_space<vmem>> -> memref<128xi32, #tpu.memory_space<vmem>>
    %dma_start3A_60 = arith.constant 0 : i32
    %dma_start3A_61 = arith.constant 0 : i32
    %dma_start3A_62 = tpu.memref_slice %arg7[%dma_start3A_60, %dma_start3A_61] : memref<100000x128xf32, #tpu.memory_space<hbm>> -> memref<100000x128xf32, #tpu.memory_space<hbm>>
    tpu.enqueue_indirect_dma source(%arg13 : memref<128x128xf32, #tpu.memory_space<vmem>>) target(%dma_start3A_62 : memref<100000x128xf32, #tpu.memory_space<hbm>>) offsets(%dma_start3A_59 : memref<128xi32, #tpu.memory_space<vmem>>) semaphore(%arg16 : memref<!tpu.dma_semaphore, #tpu.memory_space<semaphore_mem>>)
    %dma_start3A_63 = arith.constant 9 : i32
    %dma_start3A_64 = arith.constant 0 : i32
    %dma_start3A_65 = tpu.memref_slice %arg10[%dma_start3A_63, %dma_start3A_64] : memref<12x128xi32, #tpu.memory_space<vmem>> -> memref<1x128xi32, #tpu.memory_space<vmem>>
    %dma_start3A_66 = tpu.memref_squeeze %dma_start3A_65 : memref<1x128xi32, #tpu.memory_space<vmem>> -> memref<128xi32, #tpu.memory_space<vmem>>
    %dma_start3A_67 = arith.constant 0 : i32
    %dma_start3A_68 = arith.constant 0 : i32
    %dma_start3A_69 = tpu.memref_slice %arg7[%dma_start3A_67, %dma_start3A_68] : memref<100000x128xf32, #tpu.memory_space<hbm>> -> memref<100000x128xf32, #tpu.memory_space<hbm>>
    tpu.enqueue_indirect_dma source(%arg13 : memref<128x128xf32, #tpu.memory_space<vmem>>) target(%dma_start3A_69 : memref<100000x128xf32, #tpu.memory_space<hbm>>) offsets(%dma_start3A_66 : memref<128xi32, #tpu.memory_space<vmem>>) semaphore(%arg16 : memref<!tpu.dma_semaphore, #tpu.memory_space<semaphore_mem>>)
    %dma_start3A_70 = arith.constant 10 : i32
    %dma_start3A_71 = arith.constant 0 : i32
    %dma_start3A_72 = tpu.memref_slice %arg10[%dma_start3A_70, %dma_start3A_71] : memref<12x128xi32, #tpu.memory_space<vmem>> -> memref<1x128xi32, #tpu.memory_space<vmem>>
    %dma_start3A_73 = tpu.memref_squeeze %dma_start3A_72 : memref<1x128xi32, #tpu.memory_space<vmem>> -> memref<128xi32, #tpu.memory_space<vmem>>
    %dma_start3A_74 = arith.constant 0 : i32
    %dma_start3A_75 = arith.constant 0 : i32
    %dma_start3A_76 = tpu.memref_slice %arg7[%dma_start3A_74, %dma_start3A_75] : memref<100000x128xf32, #tpu.memory_space<hbm>> -> memref<100000x128xf32, #tpu.memory_space<hbm>>
    tpu.enqueue_indirect_dma source(%arg13 : memref<128x128xf32, #tpu.memory_space<vmem>>) target(%dma_start3A_76 : memref<100000x128xf32, #tpu.memory_space<hbm>>) offsets(%dma_start3A_73 : memref<128xi32, #tpu.memory_space<vmem>>) semaphore(%arg16 : memref<!tpu.dma_semaphore, #tpu.memory_space<semaphore_mem>>)
    %dma_start3A_77 = arith.constant 11 : i32
    %dma_start3A_78 = arith.constant 0 : i32
    %dma_start3A_79 = tpu.memref_slice %arg10[%dma_start3A_77, %dma_start3A_78] : memref<12x128xi32, #tpu.memory_space<vmem>> -> memref<1x128xi32, #tpu.memory_space<vmem>>
    %dma_start3A_80 = tpu.memref_squeeze %dma_start3A_79 : memref<1x128xi32, #tpu.memory_space<vmem>> -> memref<128xi32, #tpu.memory_space<vmem>>
    %dma_start3A_81 = arith.constant 0 : i32
    %dma_start3A_82 = arith.constant 0 : i32
    %dma_start3A_83 = tpu.memref_slice %arg7[%dma_start3A_81, %dma_start3A_82] : memref<100000x128xf32, #tpu.memory_space<hbm>> -> memref<100000x128xf32, #tpu.memory_space<hbm>>
    tpu.enqueue_indirect_dma source(%arg13 : memref<128x128xf32, #tpu.memory_space<vmem>>) target(%dma_start3A_83 : memref<100000x128xf32, #tpu.memory_space<hbm>>) offsets(%dma_start3A_80 : memref<128xi32, #tpu.memory_space<vmem>>) semaphore(%arg16 : memref<!tpu.dma_semaphore, #tpu.memory_space<semaphore_mem>>)
    %dma_start3A_84 = arith.constant 0 : i32
    %dma_start3A_85 = arith.constant 0 : i32
    %dma_start3A_86 = tpu.memref_slice %arg8[%dma_start3A_84, %dma_start3A_85] : memref<13x128xi32, #tpu.memory_space<vmem>> -> memref<1x128xi32, #tpu.memory_space<vmem>>
    %dma_start3A_87 = tpu.memref_squeeze %dma_start3A_86 : memref<1x128xi32, #tpu.memory_space<vmem>> -> memref<128xi32, #tpu.memory_space<vmem>>
    %dma_start3A_88 = arith.constant 0 : i32
    %dma_start3A_89 = arith.constant 0 : i32
    %dma_start3A_90 = tpu.memref_slice %arg2[%dma_start3A_88, %dma_start3A_89] : memref<100000x128xf32, #tpu.memory_space<hbm>> -> memref<100000x128xf32, #tpu.memory_space<hbm>>
    tpu.enqueue_indirect_dma source(%dma_start3A_90 : memref<100000x128xf32, #tpu.memory_space<hbm>>) target(%arg11 : memref<128x128xf32, #tpu.memory_space<vmem>>) offsets(%dma_start3A_87 : memref<128xi32, #tpu.memory_space<vmem>>) semaphore(%arg14 : memref<!tpu.dma_semaphore, #tpu.memory_space<semaphore_mem>>)
    %dma_wait3A = arith.constant 0 : i32
    %dma_wait3A_91 = arith.constant 0 : i32
    %dma_wait3A_92 = tpu.memref_slice %arg8[%dma_wait3A, %dma_wait3A_91] : memref<13x128xi32, #tpu.memory_space<vmem>> -> memref<1x128xi32, #tpu.memory_space<vmem>>
    %dma_wait3A_93 = tpu.memref_squeeze %dma_wait3A_92 : memref<1x128xi32, #tpu.memory_space<vmem>> -> memref<128xi32, #tpu.memory_space<vmem>>
    %dma_wait3A_94 = arith.constant 0 : i32
    %dma_wait3A_95 = arith.constant 0 : i32
    %dma_wait3A_96 = tpu.memref_slice %arg2[%dma_wait3A_94, %dma_wait3A_95] : memref<100000x128xf32, #tpu.memory_space<hbm>> -> memref<100000x128xf32, #tpu.memory_space<hbm>>
    tpu.wait_indirect_dma semaphore(%arg14 : memref<!tpu.dma_semaphore, #tpu.memory_space<semaphore_mem>>) src(%dma_wait3A_96 : memref<100000x128xf32, #tpu.memory_space<hbm>>) dst(%arg11 : memref<128x128xf32, #tpu.memory_space<vmem>>)
    %dma_start3A_97 = arith.constant 1 : i32
    %dma_start3A_98 = arith.constant 0 : i32
    %dma_start3A_99 = tpu.memref_slice %arg8[%dma_start3A_97, %dma_start3A_98] : memref<13x128xi32, #tpu.memory_space<vmem>> -> memref<1x128xi32, #tpu.memory_space<vmem>>
    %dma_start3A_100 = tpu.memref_squeeze %dma_start3A_99 : memref<1x128xi32, #tpu.memory_space<vmem>> -> memref<128xi32, #tpu.memory_space<vmem>>
    %dma_start3A_101 = arith.constant 0 : i32
    %dma_start3A_102 = arith.constant 0 : i32
    %dma_start3A_103 = tpu.memref_slice %arg2[%dma_start3A_101, %dma_start3A_102] : memref<100000x128xf32, #tpu.memory_space<hbm>> -> memref<100000x128xf32, #tpu.memory_space<hbm>>
    tpu.enqueue_indirect_dma source(%dma_start3A_103 : memref<100000x128xf32, #tpu.memory_space<hbm>>) target(%arg12 : memref<128x128xf32, #tpu.memory_space<vmem>>) offsets(%dma_start3A_100 : memref<128xi32, #tpu.memory_space<vmem>>) semaphore(%arg14 : memref<!tpu.dma_semaphore, #tpu.memory_space<semaphore_mem>>)
    %dma_start3A_104 = arith.constant 0 : i32
    %dma_start3A_105 = arith.constant 0 : i32
    %dma_start3A_106 = tpu.memref_slice %arg9[%dma_start3A_104, %dma_start3A_105] : memref<13x128xi32, #tpu.memory_space<vmem>> -> memref<1x128xi32, #tpu.memory_space<vmem>>
    %dma_start3A_107 = tpu.memref_squeeze %dma_start3A_106 : memref<1x128xi32, #tpu.memory_space<vmem>> -> memref<128xi32, #tpu.memory_space<vmem>>
    %dma_start3A_108 = arith.constant 0 : i32
    %dma_start3A_109 = arith.constant 0 : i32
    %dma_start3A_110 = tpu.memref_slice %arg7[%dma_start3A_108, %dma_start3A_109] : memref<100000x128xf32, #tpu.memory_space<hbm>> -> memref<100000x128xf32, #tpu.memory_space<hbm>>
    tpu.enqueue_indirect_dma source(%arg11 : memref<128x128xf32, #tpu.memory_space<vmem>>) target(%dma_start3A_110 : memref<100000x128xf32, #tpu.memory_space<hbm>>) offsets(%dma_start3A_107 : memref<128xi32, #tpu.memory_space<vmem>>) semaphore(%arg15 : memref<!tpu.dma_semaphore, #tpu.memory_space<semaphore_mem>>)
    %dma_wait3A_111 = arith.constant 1 : i32
    %dma_wait3A_112 = arith.constant 0 : i32
    %dma_wait3A_113 = tpu.memref_slice %arg8[%dma_wait3A_111, %dma_wait3A_112] : memref<13x128xi32, #tpu.memory_space<vmem>> -> memref<1x128xi32, #tpu.memory_space<vmem>>
    %dma_wait3A_114 = tpu.memref_squeeze %dma_wait3A_113 : memref<1x128xi32, #tpu.memory_space<vmem>> -> memref<128xi32, #tpu.memory_space<vmem>>
    %dma_wait3A_115 = arith.constant 0 : i32
    %dma_wait3A_116 = arith.constant 0 : i32
    %dma_wait3A_117 = tpu.memref_slice %arg2[%dma_wait3A_115, %dma_wait3A_116] : memref<100000x128xf32, #tpu.memory_space<hbm>> -> memref<100000x128xf32, #tpu.memory_space<hbm>>
    tpu.wait_indirect_dma semaphore(%arg14 : memref<!tpu.dma_semaphore, #tpu.memory_space<semaphore_mem>>) src(%dma_wait3A_117 : memref<100000x128xf32, #tpu.memory_space<hbm>>) dst(%arg12 : memref<128x128xf32, #tpu.memory_space<vmem>>)
    %dma_wait3A_118 = arith.constant 0 : i32
    %dma_wait3A_119 = arith.constant 0 : i32
    %dma_wait3A_120 = tpu.memref_slice %arg9[%dma_wait3A_118, %dma_wait3A_119] : memref<13x128xi32, #tpu.memory_space<vmem>> -> memref<1x128xi32, #tpu.memory_space<vmem>>
    %dma_wait3A_121 = tpu.memref_squeeze %dma_wait3A_120 : memref<1x128xi32, #tpu.memory_space<vmem>> -> memref<128xi32, #tpu.memory_space<vmem>>
    %dma_wait3A_122 = arith.constant 0 : i32
    %dma_wait3A_123 = arith.constant 0 : i32
    %dma_wait3A_124 = tpu.memref_slice %arg7[%dma_wait3A_122, %dma_wait3A_123] : memref<100000x128xf32, #tpu.memory_space<hbm>> -> memref<100000x128xf32, #tpu.memory_space<hbm>>
    tpu.wait_indirect_dma semaphore(%arg15 : memref<!tpu.dma_semaphore, #tpu.memory_space<semaphore_mem>>) src(%arg11 : memref<128x128xf32, #tpu.memory_space<vmem>>) dst(%dma_wait3A_124 : memref<100000x128xf32, #tpu.memory_space<hbm>>)
    %dma_start3A_125 = arith.constant 2 : i32
    %dma_start3A_126 = arith.constant 0 : i32
    %dma_start3A_127 = tpu.memref_slice %arg8[%dma_start3A_125, %dma_start3A_126] : memref<13x128xi32, #tpu.memory_space<vmem>> -> memref<1x128xi32, #tpu.memory_space<vmem>>
    %dma_start3A_128 = tpu.memref_squeeze %dma_start3A_127 : memref<1x128xi32, #tpu.memory_space<vmem>> -> memref<128xi32, #tpu.memory_space<vmem>>
    %dma_start3A_129 = arith.constant 0 : i32
    %dma_start3A_130 = arith.constant 0 : i32
    %dma_start3A_131 = tpu.memref_slice %arg2[%dma_start3A_129, %dma_start3A_130] : memref<100000x128xf32, #tpu.memory_space<hbm>> -> memref<100000x128xf32, #tpu.memory_space<hbm>>
    tpu.enqueue_indirect_dma source(%dma_start3A_131 : memref<100000x128xf32, #tpu.memory_space<hbm>>) target(%arg11 : memref<128x128xf32, #tpu.memory_space<vmem>>) offsets(%dma_start3A_128 : memref<128xi32, #tpu.memory_space<vmem>>) semaphore(%arg14 : memref<!tpu.dma_semaphore, #tpu.memory_space<semaphore_mem>>)
    %dma_start3A_132 = arith.constant 1 : i32
    %dma_start3A_133 = arith.constant 0 : i32
    %dma_start3A_134 = tpu.memref_slice %arg9[%dma_start3A_132, %dma_start3A_133] : memref<13x128xi32, #tpu.memory_space<vmem>> -> memref<1x128xi32, #tpu.memory_space<vmem>>
    %dma_start3A_135 = tpu.memref_squeeze %dma_start3A_134 : memref<1x128xi32, #tpu.memory_space<vmem>> -> memref<128xi32, #tpu.memory_space<vmem>>
    %dma_start3A_136 = arith.constant 0 : i32
    %dma_start3A_137 = arith.constant 0 : i32
    %dma_start3A_138 = tpu.memref_slice %arg7[%dma_start3A_136, %dma_start3A_137] : memref<100000x128xf32, #tpu.memory_space<hbm>> -> memref<100000x128xf32, #tpu.memory_space<hbm>>
    tpu.enqueue_indirect_dma source(%arg12 : memref<128x128xf32, #tpu.memory_space<vmem>>) target(%dma_start3A_138 : memref<100000x128xf32, #tpu.memory_space<hbm>>) offsets(%dma_start3A_135 : memref<128xi32, #tpu.memory_space<vmem>>) semaphore(%arg15 : memref<!tpu.dma_semaphore, #tpu.memory_space<semaphore_mem>>)
    %dma_wait3A_139 = arith.constant 2 : i32
    %dma_wait3A_140 = arith.constant 0 : i32
    %dma_wait3A_141 = tpu.memref_slice %arg8[%dma_wait3A_139, %dma_wait3A_140] : memref<13x128xi32, #tpu.memory_space<vmem>> -> memref<1x128xi32, #tpu.memory_space<vmem>>
    %dma_wait3A_142 = tpu.memref_squeeze %dma_wait3A_141 : memref<1x128xi32, #tpu.memory_space<vmem>> -> memref<128xi32, #tpu.memory_space<vmem>>
    %dma_wait3A_143 = arith.constant 0 : i32
    %dma_wait3A_144 = arith.constant 0 : i32
    %dma_wait3A_145 = tpu.memref_slice %arg2[%dma_wait3A_143, %dma_wait3A_144] : memref<100000x128xf32, #tpu.memory_space<hbm>> -> memref<100000x128xf32, #tpu.memory_space<hbm>>
    tpu.wait_indirect_dma semaphore(%arg14 : memref<!tpu.dma_semaphore, #tpu.memory_space<semaphore_mem>>) src(%dma_wait3A_145 : memref<100000x128xf32, #tpu.memory_space<hbm>>) dst(%arg11 : memref<128x128xf32, #tpu.memory_space<vmem>>)
    %dma_wait3A_146 = arith.constant 1 : i32
    %dma_wait3A_147 = arith.constant 0 : i32
    %dma_wait3A_148 = tpu.memref_slice %arg9[%dma_wait3A_146, %dma_wait3A_147] : memref<13x128xi32, #tpu.memory_space<vmem>> -> memref<1x128xi32, #tpu.memory_space<vmem>>
    %dma_wait3A_149 = tpu.memref_squeeze %dma_wait3A_148 : memref<1x128xi32, #tpu.memory_space<vmem>> -> memref<128xi32, #tpu.memory_space<vmem>>
    %dma_wait3A_150 = arith.constant 0 : i32
    %dma_wait3A_151 = arith.constant 0 : i32
    %dma_wait3A_152 = tpu.memref_slice %arg7[%dma_wait3A_150, %dma_wait3A_151] : memref<100000x128xf32, #tpu.memory_space<hbm>> -> memref<100000x128xf32, #tpu.memory_space<hbm>>
    tpu.wait_indirect_dma semaphore(%arg15 : memref<!tpu.dma_semaphore, #tpu.memory_space<semaphore_mem>>) src(%arg12 : memref<128x128xf32, #tpu.memory_space<vmem>>) dst(%dma_wait3A_152 : memref<100000x128xf32, #tpu.memory_space<hbm>>)
    %dma_start3A_153 = arith.constant 3 : i32
    %dma_start3A_154 = arith.constant 0 : i32
    %dma_start3A_155 = tpu.memref_slice %arg8[%dma_start3A_153, %dma_start3A_154] : memref<13x128xi32, #tpu.memory_space<vmem>> -> memref<1x128xi32, #tpu.memory_space<vmem>>
    %dma_start3A_156 = tpu.memref_squeeze %dma_start3A_155 : memref<1x128xi32, #tpu.memory_space<vmem>> -> memref<128xi32, #tpu.memory_space<vmem>>
    %dma_start3A_157 = arith.constant 0 : i32
    %dma_start3A_158 = arith.constant 0 : i32
    %dma_start3A_159 = tpu.memref_slice %arg2[%dma_start3A_157, %dma_start3A_158] : memref<100000x128xf32, #tpu.memory_space<hbm>> -> memref<100000x128xf32, #tpu.memory_space<hbm>>
    tpu.enqueue_indirect_dma source(%dma_start3A_159 : memref<100000x128xf32, #tpu.memory_space<hbm>>) target(%arg12 : memref<128x128xf32, #tpu.memory_space<vmem>>) offsets(%dma_start3A_156 : memref<128xi32, #tpu.memory_space<vmem>>) semaphore(%arg14 : memref<!tpu.dma_semaphore, #tpu.memory_space<semaphore_mem>>)
    %dma_start3A_160 = arith.constant 2 : i32
    %dma_start3A_161 = arith.constant 0 : i32
    %dma_start3A_162 = tpu.memref_slice %arg9[%dma_start3A_160, %dma_start3A_161] : memref<13x128xi32, #tpu.memory_space<vmem>> -> memref<1x128xi32, #tpu.memory_space<vmem>>
    %dma_start3A_163 = tpu.memref_squeeze %dma_start3A_162 : memref<1x128xi32, #tpu.memory_space<vmem>> -> memref<128xi32, #tpu.memory_space<vmem>>
    %dma_start3A_164 = arith.constant 0 : i32
    %dma_start3A_165 = arith.constant 0 : i32
    %dma_start3A_166 = tpu.memref_slice %arg7[%dma_start3A_164, %dma_start3A_165] : memref<100000x128xf32, #tpu.memory_space<hbm>> -> memref<100000x128xf32, #tpu.memory_space<hbm>>
    tpu.enqueue_indirect_dma source(%arg11 : memref<128x128xf32, #tpu.memory_space<vmem>>) target(%dma_start3A_166 : memref<100000x128xf32, #tpu.memory_space<hbm>>) offsets(%dma_start3A_163 : memref<128xi32, #tpu.memory_space<vmem>>) semaphore(%arg15 : memref<!tpu.dma_semaphore, #tpu.memory_space<semaphore_mem>>)
    %dma_wait3A_167 = arith.constant 3 : i32
    %dma_wait3A_168 = arith.constant 0 : i32
    %dma_wait3A_169 = tpu.memref_slice %arg8[%dma_wait3A_167, %dma_wait3A_168] : memref<13x128xi32, #tpu.memory_space<vmem>> -> memref<1x128xi32, #tpu.memory_space<vmem>>
    %dma_wait3A_170 = tpu.memref_squeeze %dma_wait3A_169 : memref<1x128xi32, #tpu.memory_space<vmem>> -> memref<128xi32, #tpu.memory_space<vmem>>
    %dma_wait3A_171 = arith.constant 0 : i32
    %dma_wait3A_172 = arith.constant 0 : i32
    %dma_wait3A_173 = tpu.memref_slice %arg2[%dma_wait3A_171, %dma_wait3A_172] : memref<100000x128xf32, #tpu.memory_space<hbm>> -> memref<100000x128xf32, #tpu.memory_space<hbm>>
    tpu.wait_indirect_dma semaphore(%arg14 : memref<!tpu.dma_semaphore, #tpu.memory_space<semaphore_mem>>) src(%dma_wait3A_173 : memref<100000x128xf32, #tpu.memory_space<hbm>>) dst(%arg12 : memref<128x128xf32, #tpu.memory_space<vmem>>)
    %dma_wait3A_174 = arith.constant 2 : i32
    %dma_wait3A_175 = arith.constant 0 : i32
    %dma_wait3A_176 = tpu.memref_slice %arg9[%dma_wait3A_174, %dma_wait3A_175] : memref<13x128xi32, #tpu.memory_space<vmem>> -> memref<1x128xi32, #tpu.memory_space<vmem>>
    %dma_wait3A_177 = tpu.memref_squeeze %dma_wait3A_176 : memref<1x128xi32, #tpu.memory_space<vmem>> -> memref<128xi32, #tpu.memory_space<vmem>>
    %dma_wait3A_178 = arith.constant 0 : i32
    %dma_wait3A_179 = arith.constant 0 : i32
    %dma_wait3A_180 = tpu.memref_slice %arg7[%dma_wait3A_178, %dma_wait3A_179] : memref<100000x128xf32, #tpu.memory_space<hbm>> -> memref<100000x128xf32, #tpu.memory_space<hbm>>
    tpu.wait_indirect_dma semaphore(%arg15 : memref<!tpu.dma_semaphore, #tpu.memory_space<semaphore_mem>>) src(%arg11 : memref<128x128xf32, #tpu.memory_space<vmem>>) dst(%dma_wait3A_180 : memref<100000x128xf32, #tpu.memory_space<hbm>>)
    %dma_start3A_181 = arith.constant 4 : i32
    %dma_start3A_182 = arith.constant 0 : i32
    %dma_start3A_183 = tpu.memref_slice %arg8[%dma_start3A_181, %dma_start3A_182] : memref<13x128xi32, #tpu.memory_space<vmem>> -> memref<1x128xi32, #tpu.memory_space<vmem>>
    %dma_start3A_184 = tpu.memref_squeeze %dma_start3A_183 : memref<1x128xi32, #tpu.memory_space<vmem>> -> memref<128xi32, #tpu.memory_space<vmem>>
    %dma_start3A_185 = arith.constant 0 : i32
    %dma_start3A_186 = arith.constant 0 : i32
    %dma_start3A_187 = tpu.memref_slice %arg2[%dma_start3A_185, %dma_start3A_186] : memref<100000x128xf32, #tpu.memory_space<hbm>> -> memref<100000x128xf32, #tpu.memory_space<hbm>>
    tpu.enqueue_indirect_dma source(%dma_start3A_187 : memref<100000x128xf32, #tpu.memory_space<hbm>>) target(%arg11 : memref<128x128xf32, #tpu.memory_space<vmem>>) offsets(%dma_start3A_184 : memref<128xi32, #tpu.memory_space<vmem>>) semaphore(%arg14 : memref<!tpu.dma_semaphore, #tpu.memory_space<semaphore_mem>>)
    %dma_start3A_188 = arith.constant 3 : i32
    %dma_start3A_189 = arith.constant 0 : i32
    %dma_start3A_190 = tpu.memref_slice %arg9[%dma_start3A_188, %dma_start3A_189] : memref<13x128xi32, #tpu.memory_space<vmem>> -> memref<1x128xi32, #tpu.memory_space<vmem>>
    %dma_start3A_191 = tpu.memref_squeeze %dma_start3A_190 : memref<1x128xi32, #tpu.memory_space<vmem>> -> memref<128xi32, #tpu.memory_space<vmem>>
    %dma_start3A_192 = arith.constant 0 : i32
    %dma_start3A_193 = arith.constant 0 : i32
    %dma_start3A_194 = tpu.memref_slice %arg7[%dma_start3A_192, %dma_start3A_193] : memref<100000x128xf32, #tpu.memory_space<hbm>> -> memref<100000x128xf32, #tpu.memory_space<hbm>>
    tpu.enqueue_indirect_dma source(%arg12 : memref<128x128xf32, #tpu.memory_space<vmem>>) target(%dma_start3A_194 : memref<100000x128xf32, #tpu.memory_space<hbm>>) offsets(%dma_start3A_191 : memref<128xi32, #tpu.memory_space<vmem>>) semaphore(%arg15 : memref<!tpu.dma_semaphore, #tpu.memory_space<semaphore_mem>>)
    %dma_wait3A_195 = arith.constant 4 : i32
    %dma_wait3A_196 = arith.constant 0 : i32
    %dma_wait3A_197 = tpu.memref_slice %arg8[%dma_wait3A_195, %dma_wait3A_196] : memref<13x128xi32, #tpu.memory_space<vmem>> -> memref<1x128xi32, #tpu.memory_space<vmem>>
    %dma_wait3A_198 = tpu.memref_squeeze %dma_wait3A_197 : memref<1x128xi32, #tpu.memory_space<vmem>> -> memref<128xi32, #tpu.memory_space<vmem>>
    %dma_wait3A_199 = arith.constant 0 : i32
    %dma_wait3A_200 = arith.constant 0 : i32
    %dma_wait3A_201 = tpu.memref_slice %arg2[%dma_wait3A_199, %dma_wait3A_200] : memref<100000x128xf32, #tpu.memory_space<hbm>> -> memref<100000x128xf32, #tpu.memory_space<hbm>>
    tpu.wait_indirect_dma semaphore(%arg14 : memref<!tpu.dma_semaphore, #tpu.memory_space<semaphore_mem>>) src(%dma_wait3A_201 : memref<100000x128xf32, #tpu.memory_space<hbm>>) dst(%arg11 : memref<128x128xf32, #tpu.memory_space<vmem>>)
    %dma_wait3A_202 = arith.constant 3 : i32
    %dma_wait3A_203 = arith.constant 0 : i32
    %dma_wait3A_204 = tpu.memref_slice %arg9[%dma_wait3A_202, %dma_wait3A_203] : memref<13x128xi32, #tpu.memory_space<vmem>> -> memref<1x128xi32, #tpu.memory_space<vmem>>
    %dma_wait3A_205 = tpu.memref_squeeze %dma_wait3A_204 : memref<1x128xi32, #tpu.memory_space<vmem>> -> memref<128xi32, #tpu.memory_space<vmem>>
    %dma_wait3A_206 = arith.constant 0 : i32
    %dma_wait3A_207 = arith.constant 0 : i32
    %dma_wait3A_208 = tpu.memref_slice %arg7[%dma_wait3A_206, %dma_wait3A_207] : memref<100000x128xf32, #tpu.memory_space<hbm>> -> memref<100000x128xf32, #tpu.memory_space<hbm>>
    tpu.wait_indirect_dma semaphore(%arg15 : memref<!tpu.dma_semaphore, #tpu.memory_space<semaphore_mem>>) src(%arg12 : memref<128x128xf32, #tpu.memory_space<vmem>>) dst(%dma_wait3A_208 : memref<100000x128xf32, #tpu.memory_space<hbm>>)
    %dma_start3A_209 = arith.constant 5 : i32
    %dma_start3A_210 = arith.constant 0 : i32
    %dma_start3A_211 = tpu.memref_slice %arg8[%dma_start3A_209, %dma_start3A_210] : memref<13x128xi32, #tpu.memory_space<vmem>> -> memref<1x128xi32, #tpu.memory_space<vmem>>
    %dma_start3A_212 = tpu.memref_squeeze %dma_start3A_211 : memref<1x128xi32, #tpu.memory_space<vmem>> -> memref<128xi32, #tpu.memory_space<vmem>>
    %dma_start3A_213 = arith.constant 0 : i32
    %dma_start3A_214 = arith.constant 0 : i32
    %dma_start3A_215 = tpu.memref_slice %arg2[%dma_start3A_213, %dma_start3A_214] : memref<100000x128xf32, #tpu.memory_space<hbm>> -> memref<100000x128xf32, #tpu.memory_space<hbm>>
    tpu.enqueue_indirect_dma source(%dma_start3A_215 : memref<100000x128xf32, #tpu.memory_space<hbm>>) target(%arg12 : memref<128x128xf32, #tpu.memory_space<vmem>>) offsets(%dma_start3A_212 : memref<128xi32, #tpu.memory_space<vmem>>) semaphore(%arg14 : memref<!tpu.dma_semaphore, #tpu.memory_space<semaphore_mem>>)
    %dma_start3A_216 = arith.constant 4 : i32
    %dma_start3A_217 = arith.constant 0 : i32
    %dma_start3A_218 = tpu.memref_slice %arg9[%dma_start3A_216, %dma_start3A_217] : memref<13x128xi32, #tpu.memory_space<vmem>> -> memref<1x128xi32, #tpu.memory_space<vmem>>
    %dma_start3A_219 = tpu.memref_squeeze %dma_start3A_218 : memref<1x128xi32, #tpu.memory_space<vmem>> -> memref<128xi32, #tpu.memory_space<vmem>>
    %dma_start3A_220 = arith.constant 0 : i32
    %dma_start3A_221 = arith.constant 0 : i32
    %dma_start3A_222 = tpu.memref_slice %arg7[%dma_start3A_220, %dma_start3A_221] : memref<100000x128xf32, #tpu.memory_space<hbm>> -> memref<100000x128xf32, #tpu.memory_space<hbm>>
    tpu.enqueue_indirect_dma source(%arg11 : memref<128x128xf32, #tpu.memory_space<vmem>>) target(%dma_start3A_222 : memref<100000x128xf32, #tpu.memory_space<hbm>>) offsets(%dma_start3A_219 : memref<128xi32, #tpu.memory_space<vmem>>) semaphore(%arg15 : memref<!tpu.dma_semaphore, #tpu.memory_space<semaphore_mem>>)
    %dma_wait3A_223 = arith.constant 5 : i32
    %dma_wait3A_224 = arith.constant 0 : i32
    %dma_wait3A_225 = tpu.memref_slice %arg8[%dma_wait3A_223, %dma_wait3A_224] : memref<13x128xi32, #tpu.memory_space<vmem>> -> memref<1x128xi32, #tpu.memory_space<vmem>>
    %dma_wait3A_226 = tpu.memref_squeeze %dma_wait3A_225 : memref<1x128xi32, #tpu.memory_space<vmem>> -> memref<128xi32, #tpu.memory_space<vmem>>
    %dma_wait3A_227 = arith.constant 0 : i32
    %dma_wait3A_228 = arith.constant 0 : i32
    %dma_wait3A_229 = tpu.memref_slice %arg2[%dma_wait3A_227, %dma_wait3A_228] : memref<100000x128xf32, #tpu.memory_space<hbm>> -> memref<100000x128xf32, #tpu.memory_space<hbm>>
    tpu.wait_indirect_dma semaphore(%arg14 : memref<!tpu.dma_semaphore, #tpu.memory_space<semaphore_mem>>) src(%dma_wait3A_229 : memref<100000x128xf32, #tpu.memory_space<hbm>>) dst(%arg12 : memref<128x128xf32, #tpu.memory_space<vmem>>)
    %dma_wait3A_230 = arith.constant 4 : i32
    %dma_wait3A_231 = arith.constant 0 : i32
    %dma_wait3A_232 = tpu.memref_slice %arg9[%dma_wait3A_230, %dma_wait3A_231] : memref<13x128xi32, #tpu.memory_space<vmem>> -> memref<1x128xi32, #tpu.memory_space<vmem>>
    %dma_wait3A_233 = tpu.memref_squeeze %dma_wait3A_232 : memref<1x128xi32, #tpu.memory_space<vmem>> -> memref<128xi32, #tpu.memory_space<vmem>>
    %dma_wait3A_234 = arith.constant 0 : i32
    %dma_wait3A_235 = arith.constant 0 : i32
    %dma_wait3A_236 = tpu.memref_slice %arg7[%dma_wait3A_234, %dma_wait3A_235] : memref<100000x128xf32, #tpu.memory_space<hbm>> -> memref<100000x128xf32, #tpu.memory_space<hbm>>
    tpu.wait_indirect_dma semaphore(%arg15 : memref<!tpu.dma_semaphore, #tpu.memory_space<semaphore_mem>>) src(%arg11 : memref<128x128xf32, #tpu.memory_space<vmem>>) dst(%dma_wait3A_236 : memref<100000x128xf32, #tpu.memory_space<hbm>>)
    %dma_start3A_237 = arith.constant 6 : i32
    %dma_start3A_238 = arith.constant 0 : i32
    %dma_start3A_239 = tpu.memref_slice %arg8[%dma_start3A_237, %dma_start3A_238] : memref<13x128xi32, #tpu.memory_space<vmem>> -> memref<1x128xi32, #tpu.memory_space<vmem>>
    %dma_start3A_240 = tpu.memref_squeeze %dma_start3A_239 : memref<1x128xi32, #tpu.memory_space<vmem>> -> memref<128xi32, #tpu.memory_space<vmem>>
    %dma_start3A_241 = arith.constant 0 : i32
    %dma_start3A_242 = arith.constant 0 : i32
    %dma_start3A_243 = tpu.memref_slice %arg2[%dma_start3A_241, %dma_start3A_242] : memref<100000x128xf32, #tpu.memory_space<hbm>> -> memref<100000x128xf32, #tpu.memory_space<hbm>>
    tpu.enqueue_indirect_dma source(%dma_start3A_243 : memref<100000x128xf32, #tpu.memory_space<hbm>>) target(%arg11 : memref<128x128xf32, #tpu.memory_space<vmem>>) offsets(%dma_start3A_240 : memref<128xi32, #tpu.memory_space<vmem>>) semaphore(%arg14 : memref<!tpu.dma_semaphore, #tpu.memory_space<semaphore_mem>>)
    %dma_start3A_244 = arith.constant 5 : i32
    %dma_start3A_245 = arith.constant 0 : i32
    %dma_start3A_246 = tpu.memref_slice %arg9[%dma_start3A_244, %dma_start3A_245] : memref<13x128xi32, #tpu.memory_space<vmem>> -> memref<1x128xi32, #tpu.memory_space<vmem>>
    %dma_start3A_247 = tpu.memref_squeeze %dma_start3A_246 : memref<1x128xi32, #tpu.memory_space<vmem>> -> memref<128xi32, #tpu.memory_space<vmem>>
    %dma_start3A_248 = arith.constant 0 : i32
    %dma_start3A_249 = arith.constant 0 : i32
    %dma_start3A_250 = tpu.memref_slice %arg7[%dma_start3A_248, %dma_start3A_249] : memref<100000x128xf32, #tpu.memory_space<hbm>> -> memref<100000x128xf32, #tpu.memory_space<hbm>>
    tpu.enqueue_indirect_dma source(%arg12 : memref<128x128xf32, #tpu.memory_space<vmem>>) target(%dma_start3A_250 : memref<100000x128xf32, #tpu.memory_space<hbm>>) offsets(%dma_start3A_247 : memref<128xi32, #tpu.memory_space<vmem>>) semaphore(%arg15 : memref<!tpu.dma_semaphore, #tpu.memory_space<semaphore_mem>>)
    %dma_wait3A_251 = arith.constant 6 : i32
    %dma_wait3A_252 = arith.constant 0 : i32
    %dma_wait3A_253 = tpu.memref_slice %arg8[%dma_wait3A_251, %dma_wait3A_252] : memref<13x128xi32, #tpu.memory_space<vmem>> -> memref<1x128xi32, #tpu.memory_space<vmem>>
    %dma_wait3A_254 = tpu.memref_squeeze %dma_wait3A_253 : memref<1x128xi32, #tpu.memory_space<vmem>> -> memref<128xi32, #tpu.memory_space<vmem>>
    %dma_wait3A_255 = arith.constant 0 : i32
    %dma_wait3A_256 = arith.constant 0 : i32
    %dma_wait3A_257 = tpu.memref_slice %arg2[%dma_wait3A_255, %dma_wait3A_256] : memref<100000x128xf32, #tpu.memory_space<hbm>> -> memref<100000x128xf32, #tpu.memory_space<hbm>>
    tpu.wait_indirect_dma semaphore(%arg14 : memref<!tpu.dma_semaphore, #tpu.memory_space<semaphore_mem>>) src(%dma_wait3A_257 : memref<100000x128xf32, #tpu.memory_space<hbm>>) dst(%arg11 : memref<128x128xf32, #tpu.memory_space<vmem>>)
    %dma_wait3A_258 = arith.constant 5 : i32
    %dma_wait3A_259 = arith.constant 0 : i32
    %dma_wait3A_260 = tpu.memref_slice %arg9[%dma_wait3A_258, %dma_wait3A_259] : memref<13x128xi32, #tpu.memory_space<vmem>> -> memref<1x128xi32, #tpu.memory_space<vmem>>
    %dma_wait3A_261 = tpu.memref_squeeze %dma_wait3A_260 : memref<1x128xi32, #tpu.memory_space<vmem>> -> memref<128xi32, #tpu.memory_space<vmem>>
    %dma_wait3A_262 = arith.constant 0 : i32
    %dma_wait3A_263 = arith.constant 0 : i32
    %dma_wait3A_264 = tpu.memref_slice %arg7[%dma_wait3A_262, %dma_wait3A_263] : memref<100000x128xf32, #tpu.memory_space<hbm>> -> memref<100000x128xf32, #tpu.memory_space<hbm>>
    tpu.wait_indirect_dma semaphore(%arg15 : memref<!tpu.dma_semaphore, #tpu.memory_space<semaphore_mem>>) src(%arg12 : memref<128x128xf32, #tpu.memory_space<vmem>>) dst(%dma_wait3A_264 : memref<100000x128xf32, #tpu.memory_space<hbm>>)
    %dma_start3A_265 = arith.constant 7 : i32
    %dma_start3A_266 = arith.constant 0 : i32
    %dma_start3A_267 = tpu.memref_slice %arg8[%dma_start3A_265, %dma_start3A_266] : memref<13x128xi32, #tpu.memory_space<vmem>> -> memref<1x128xi32, #tpu.memory_space<vmem>>
    %dma_start3A_268 = tpu.memref_squeeze %dma_start3A_267 : memref<1x128xi32, #tpu.memory_space<vmem>> -> memref<128xi32, #tpu.memory_space<vmem>>
    %dma_start3A_269 = arith.constant 0 : i32
    %dma_start3A_270 = arith.constant 0 : i32
    %dma_start3A_271 = tpu.memref_slice %arg2[%dma_start3A_269, %dma_start3A_270] : memref<100000x128xf32, #tpu.memory_space<hbm>> -> memref<100000x128xf32, #tpu.memory_space<hbm>>
    tpu.enqueue_indirect_dma source(%dma_start3A_271 : memref<100000x128xf32, #tpu.memory_space<hbm>>) target(%arg12 : memref<128x128xf32, #tpu.memory_space<vmem>>) offsets(%dma_start3A_268 : memref<128xi32, #tpu.memory_space<vmem>>) semaphore(%arg14 : memref<!tpu.dma_semaphore, #tpu.memory_space<semaphore_mem>>)
    %dma_start3A_272 = arith.constant 6 : i32
    %dma_start3A_273 = arith.constant 0 : i32
    %dma_start3A_274 = tpu.memref_slice %arg9[%dma_start3A_272, %dma_start3A_273] : memref<13x128xi32, #tpu.memory_space<vmem>> -> memref<1x128xi32, #tpu.memory_space<vmem>>
    %dma_start3A_275 = tpu.memref_squeeze %dma_start3A_274 : memref<1x128xi32, #tpu.memory_space<vmem>> -> memref<128xi32, #tpu.memory_space<vmem>>
    %dma_start3A_276 = arith.constant 0 : i32
    %dma_start3A_277 = arith.constant 0 : i32
    %dma_start3A_278 = tpu.memref_slice %arg7[%dma_start3A_276, %dma_start3A_277] : memref<100000x128xf32, #tpu.memory_space<hbm>> -> memref<100000x128xf32, #tpu.memory_space<hbm>>
    tpu.enqueue_indirect_dma source(%arg11 : memref<128x128xf32, #tpu.memory_space<vmem>>) target(%dma_start3A_278 : memref<100000x128xf32, #tpu.memory_space<hbm>>) offsets(%dma_start3A_275 : memref<128xi32, #tpu.memory_space<vmem>>) semaphore(%arg15 : memref<!tpu.dma_semaphore, #tpu.memory_space<semaphore_mem>>)
    %dma_wait3A_279 = arith.constant 7 : i32
    %dma_wait3A_280 = arith.constant 0 : i32
    %dma_wait3A_281 = tpu.memref_slice %arg8[%dma_wait3A_279, %dma_wait3A_280] : memref<13x128xi32, #tpu.memory_space<vmem>> -> memref<1x128xi32, #tpu.memory_space<vmem>>
    %dma_wait3A_282 = tpu.memref_squeeze %dma_wait3A_281 : memref<1x128xi32, #tpu.memory_space<vmem>> -> memref<128xi32, #tpu.memory_space<vmem>>
    %dma_wait3A_283 = arith.constant 0 : i32
    %dma_wait3A_284 = arith.constant 0 : i32
    %dma_wait3A_285 = tpu.memref_slice %arg2[%dma_wait3A_283, %dma_wait3A_284] : memref<100000x128xf32, #tpu.memory_space<hbm>> -> memref<100000x128xf32, #tpu.memory_space<hbm>>
    tpu.wait_indirect_dma semaphore(%arg14 : memref<!tpu.dma_semaphore, #tpu.memory_space<semaphore_mem>>) src(%dma_wait3A_285 : memref<100000x128xf32, #tpu.memory_space<hbm>>) dst(%arg12 : memref<128x128xf32, #tpu.memory_space<vmem>>)
    %dma_wait3A_286 = arith.constant 6 : i32
    %dma_wait3A_287 = arith.constant 0 : i32
    %dma_wait3A_288 = tpu.memref_slice %arg9[%dma_wait3A_286, %dma_wait3A_287] : memref<13x128xi32, #tpu.memory_space<vmem>> -> memref<1x128xi32, #tpu.memory_space<vmem>>
    %dma_wait3A_289 = tpu.memref_squeeze %dma_wait3A_288 : memref<1x128xi32, #tpu.memory_space<vmem>> -> memref<128xi32, #tpu.memory_space<vmem>>
    %dma_wait3A_290 = arith.constant 0 : i32
    %dma_wait3A_291 = arith.constant 0 : i32
    %dma_wait3A_292 = tpu.memref_slice %arg7[%dma_wait3A_290, %dma_wait3A_291] : memref<100000x128xf32, #tpu.memory_space<hbm>> -> memref<100000x128xf32, #tpu.memory_space<hbm>>
    tpu.wait_indirect_dma semaphore(%arg15 : memref<!tpu.dma_semaphore, #tpu.memory_space<semaphore_mem>>) src(%arg11 : memref<128x128xf32, #tpu.memory_space<vmem>>) dst(%dma_wait3A_292 : memref<100000x128xf32, #tpu.memory_space<hbm>>)
    %dma_start3A_293 = arith.constant 8 : i32
    %dma_start3A_294 = arith.constant 0 : i32
    %dma_start3A_295 = tpu.memref_slice %arg8[%dma_start3A_293, %dma_start3A_294] : memref<13x128xi32, #tpu.memory_space<vmem>> -> memref<1x128xi32, #tpu.memory_space<vmem>>
    %dma_start3A_296 = tpu.memref_squeeze %dma_start3A_295 : memref<1x128xi32, #tpu.memory_space<vmem>> -> memref<128xi32, #tpu.memory_space<vmem>>
    %dma_start3A_297 = arith.constant 0 : i32
    %dma_start3A_298 = arith.constant 0 : i32
    %dma_start3A_299 = tpu.memref_slice %arg2[%dma_start3A_297, %dma_start3A_298] : memref<100000x128xf32, #tpu.memory_space<hbm>> -> memref<100000x128xf32, #tpu.memory_space<hbm>>
    tpu.enqueue_indirect_dma source(%dma_start3A_299 : memref<100000x128xf32, #tpu.memory_space<hbm>>) target(%arg11 : memref<128x128xf32, #tpu.memory_space<vmem>>) offsets(%dma_start3A_296 : memref<128xi32, #tpu.memory_space<vmem>>) semaphore(%arg14 : memref<!tpu.dma_semaphore, #tpu.memory_space<semaphore_mem>>)
    %dma_start3A_300 = arith.constant 7 : i32
    %dma_start3A_301 = arith.constant 0 : i32
    %dma_start3A_302 = tpu.memref_slice %arg9[%dma_start3A_300, %dma_start3A_301] : memref<13x128xi32, #tpu.memory_space<vmem>> -> memref<1x128xi32, #tpu.memory_space<vmem>>
    %dma_start3A_303 = tpu.memref_squeeze %dma_start3A_302 : memref<1x128xi32, #tpu.memory_space<vmem>> -> memref<128xi32, #tpu.memory_space<vmem>>
    %dma_start3A_304 = arith.constant 0 : i32
    %dma_start3A_305 = arith.constant 0 : i32
    %dma_start3A_306 = tpu.memref_slice %arg7[%dma_start3A_304, %dma_start3A_305] : memref<100000x128xf32, #tpu.memory_space<hbm>> -> memref<100000x128xf32, #tpu.memory_space<hbm>>
    tpu.enqueue_indirect_dma source(%arg12 : memref<128x128xf32, #tpu.memory_space<vmem>>) target(%dma_start3A_306 : memref<100000x128xf32, #tpu.memory_space<hbm>>) offsets(%dma_start3A_303 : memref<128xi32, #tpu.memory_space<vmem>>) semaphore(%arg15 : memref<!tpu.dma_semaphore, #tpu.memory_space<semaphore_mem>>)
    %dma_wait3A_307 = arith.constant 8 : i32
    %dma_wait3A_308 = arith.constant 0 : i32
    %dma_wait3A_309 = tpu.memref_slice %arg8[%dma_wait3A_307, %dma_wait3A_308] : memref<13x128xi32, #tpu.memory_space<vmem>> -> memref<1x128xi32, #tpu.memory_space<vmem>>
    %dma_wait3A_310 = tpu.memref_squeeze %dma_wait3A_309 : memref<1x128xi32, #tpu.memory_space<vmem>> -> memref<128xi32, #tpu.memory_space<vmem>>
    %dma_wait3A_311 = arith.constant 0 : i32
    %dma_wait3A_312 = arith.constant 0 : i32
    %dma_wait3A_313 = tpu.memref_slice %arg2[%dma_wait3A_311, %dma_wait3A_312] : memref<100000x128xf32, #tpu.memory_space<hbm>> -> memref<100000x128xf32, #tpu.memory_space<hbm>>
    tpu.wait_indirect_dma semaphore(%arg14 : memref<!tpu.dma_semaphore, #tpu.memory_space<semaphore_mem>>) src(%dma_wait3A_313 : memref<100000x128xf32, #tpu.memory_space<hbm>>) dst(%arg11 : memref<128x128xf32, #tpu.memory_space<vmem>>)
    %dma_wait3A_314 = arith.constant 7 : i32
    %dma_wait3A_315 = arith.constant 0 : i32
    %dma_wait3A_316 = tpu.memref_slice %arg9[%dma_wait3A_314, %dma_wait3A_315] : memref<13x128xi32, #tpu.memory_space<vmem>> -> memref<1x128xi32, #tpu.memory_space<vmem>>
    %dma_wait3A_317 = tpu.memref_squeeze %dma_wait3A_316 : memref<1x128xi32, #tpu.memory_space<vmem>> -> memref<128xi32, #tpu.memory_space<vmem>>
    %dma_wait3A_318 = arith.constant 0 : i32
    %dma_wait3A_319 = arith.constant 0 : i32
    %dma_wait3A_320 = tpu.memref_slice %arg7[%dma_wait3A_318, %dma_wait3A_319] : memref<100000x128xf32, #tpu.memory_space<hbm>> -> memref<100000x128xf32, #tpu.memory_space<hbm>>
    tpu.wait_indirect_dma semaphore(%arg15 : memref<!tpu.dma_semaphore, #tpu.memory_space<semaphore_mem>>) src(%arg12 : memref<128x128xf32, #tpu.memory_space<vmem>>) dst(%dma_wait3A_320 : memref<100000x128xf32, #tpu.memory_space<hbm>>)
    %dma_start3A_321 = arith.constant 9 : i32
    %dma_start3A_322 = arith.constant 0 : i32
    %dma_start3A_323 = tpu.memref_slice %arg8[%dma_start3A_321, %dma_start3A_322] : memref<13x128xi32, #tpu.memory_space<vmem>> -> memref<1x128xi32, #tpu.memory_space<vmem>>
    %dma_start3A_324 = tpu.memref_squeeze %dma_start3A_323 : memref<1x128xi32, #tpu.memory_space<vmem>> -> memref<128xi32, #tpu.memory_space<vmem>>
    %dma_start3A_325 = arith.constant 0 : i32
    %dma_start3A_326 = arith.constant 0 : i32
    %dma_start3A_327 = tpu.memref_slice %arg2[%dma_start3A_325, %dma_start3A_326] : memref<100000x128xf32, #tpu.memory_space<hbm>> -> memref<100000x128xf32, #tpu.memory_space<hbm>>
    tpu.enqueue_indirect_dma source(%dma_start3A_327 : memref<100000x128xf32, #tpu.memory_space<hbm>>) target(%arg12 : memref<128x128xf32, #tpu.memory_space<vmem>>) offsets(%dma_start3A_324 : memref<128xi32, #tpu.memory_space<vmem>>) semaphore(%arg14 : memref<!tpu.dma_semaphore, #tpu.memory_space<semaphore_mem>>)
    %dma_start3A_328 = arith.constant 8 : i32
    %dma_start3A_329 = arith.constant 0 : i32
    %dma_start3A_330 = tpu.memref_slice %arg9[%dma_start3A_328, %dma_start3A_329] : memref<13x128xi32, #tpu.memory_space<vmem>> -> memref<1x128xi32, #tpu.memory_space<vmem>>
    %dma_start3A_331 = tpu.memref_squeeze %dma_start3A_330 : memref<1x128xi32, #tpu.memory_space<vmem>> -> memref<128xi32, #tpu.memory_space<vmem>>
    %dma_start3A_332 = arith.constant 0 : i32
    %dma_start3A_333 = arith.constant 0 : i32
    %dma_start3A_334 = tpu.memref_slice %arg7[%dma_start3A_332, %dma_start3A_333] : memref<100000x128xf32, #tpu.memory_space<hbm>> -> memref<100000x128xf32, #tpu.memory_space<hbm>>
    tpu.enqueue_indirect_dma source(%arg11 : memref<128x128xf32, #tpu.memory_space<vmem>>) target(%dma_start3A_334 : memref<100000x128xf32, #tpu.memory_space<hbm>>) offsets(%dma_start3A_331 : memref<128xi32, #tpu.memory_space<vmem>>) semaphore(%arg15 : memref<!tpu.dma_semaphore, #tpu.memory_space<semaphore_mem>>)
    %dma_wait3A_335 = arith.constant 9 : i32
    %dma_wait3A_336 = arith.constant 0 : i32
    %dma_wait3A_337 = tpu.memref_slice %arg8[%dma_wait3A_335, %dma_wait3A_336] : memref<13x128xi32, #tpu.memory_space<vmem>> -> memref<1x128xi32, #tpu.memory_space<vmem>>
    %dma_wait3A_338 = tpu.memref_squeeze %dma_wait3A_337 : memref<1x128xi32, #tpu.memory_space<vmem>> -> memref<128xi32, #tpu.memory_space<vmem>>
    %dma_wait3A_339 = arith.constant 0 : i32
    %dma_wait3A_340 = arith.constant 0 : i32
    %dma_wait3A_341 = tpu.memref_slice %arg2[%dma_wait3A_339, %dma_wait3A_340] : memref<100000x128xf32, #tpu.memory_space<hbm>> -> memref<100000x128xf32, #tpu.memory_space<hbm>>
    tpu.wait_indirect_dma semaphore(%arg14 : memref<!tpu.dma_semaphore, #tpu.memory_space<semaphore_mem>>) src(%dma_wait3A_341 : memref<100000x128xf32, #tpu.memory_space<hbm>>) dst(%arg12 : memref<128x128xf32, #tpu.memory_space<vmem>>)
    %dma_wait3A_342 = arith.constant 8 : i32
    %dma_wait3A_343 = arith.constant 0 : i32
    %dma_wait3A_344 = tpu.memref_slice %arg9[%dma_wait3A_342, %dma_wait3A_343] : memref<13x128xi32, #tpu.memory_space<vmem>> -> memref<1x128xi32, #tpu.memory_space<vmem>>
    %dma_wait3A_345 = tpu.memref_squeeze %dma_wait3A_344 : memref<1x128xi32, #tpu.memory_space<vmem>> -> memref<128xi32, #tpu.memory_space<vmem>>
    %dma_wait3A_346 = arith.constant 0 : i32
    %dma_wait3A_347 = arith.constant 0 : i32
    %dma_wait3A_348 = tpu.memref_slice %arg7[%dma_wait3A_346, %dma_wait3A_347] : memref<100000x128xf32, #tpu.memory_space<hbm>> -> memref<100000x128xf32, #tpu.memory_space<hbm>>
    tpu.wait_indirect_dma semaphore(%arg15 : memref<!tpu.dma_semaphore, #tpu.memory_space<semaphore_mem>>) src(%arg11 : memref<128x128xf32, #tpu.memory_space<vmem>>) dst(%dma_wait3A_348 : memref<100000x128xf32, #tpu.memory_space<hbm>>)
    %dma_start3A_349 = arith.constant 10 : i32
    %dma_start3A_350 = arith.constant 0 : i32
    %dma_start3A_351 = tpu.memref_slice %arg8[%dma_start3A_349, %dma_start3A_350] : memref<13x128xi32, #tpu.memory_space<vmem>> -> memref<1x128xi32, #tpu.memory_space<vmem>>
    %dma_start3A_352 = tpu.memref_squeeze %dma_start3A_351 : memref<1x128xi32, #tpu.memory_space<vmem>> -> memref<128xi32, #tpu.memory_space<vmem>>
    %dma_start3A_353 = arith.constant 0 : i32
    %dma_start3A_354 = arith.constant 0 : i32
    %dma_start3A_355 = tpu.memref_slice %arg2[%dma_start3A_353, %dma_start3A_354] : memref<100000x128xf32, #tpu.memory_space<hbm>> -> memref<100000x128xf32, #tpu.memory_space<hbm>>
    tpu.enqueue_indirect_dma source(%dma_start3A_355 : memref<100000x128xf32, #tpu.memory_space<hbm>>) target(%arg11 : memref<128x128xf32, #tpu.memory_space<vmem>>) offsets(%dma_start3A_352 : memref<128xi32, #tpu.memory_space<vmem>>) semaphore(%arg14 : memref<!tpu.dma_semaphore, #tpu.memory_space<semaphore_mem>>)
    %dma_start3A_356 = arith.constant 9 : i32
    %dma_start3A_357 = arith.constant 0 : i32
    %dma_start3A_358 = tpu.memref_slice %arg9[%dma_start3A_356, %dma_start3A_357] : memref<13x128xi32, #tpu.memory_space<vmem>> -> memref<1x128xi32, #tpu.memory_space<vmem>>
    %dma_start3A_359 = tpu.memref_squeeze %dma_start3A_358 : memref<1x128xi32, #tpu.memory_space<vmem>> -> memref<128xi32, #tpu.memory_space<vmem>>
    %dma_start3A_360 = arith.constant 0 : i32
    %dma_start3A_361 = arith.constant 0 : i32
    %dma_start3A_362 = tpu.memref_slice %arg7[%dma_start3A_360, %dma_start3A_361] : memref<100000x128xf32, #tpu.memory_space<hbm>> -> memref<100000x128xf32, #tpu.memory_space<hbm>>
    tpu.enqueue_indirect_dma source(%arg12 : memref<128x128xf32, #tpu.memory_space<vmem>>) target(%dma_start3A_362 : memref<100000x128xf32, #tpu.memory_space<hbm>>) offsets(%dma_start3A_359 : memref<128xi32, #tpu.memory_space<vmem>>) semaphore(%arg15 : memref<!tpu.dma_semaphore, #tpu.memory_space<semaphore_mem>>)
    %dma_wait3A_363 = arith.constant 10 : i32
    %dma_wait3A_364 = arith.constant 0 : i32
    %dma_wait3A_365 = tpu.memref_slice %arg8[%dma_wait3A_363, %dma_wait3A_364] : memref<13x128xi32, #tpu.memory_space<vmem>> -> memref<1x128xi32, #tpu.memory_space<vmem>>
    %dma_wait3A_366 = tpu.memref_squeeze %dma_wait3A_365 : memref<1x128xi32, #tpu.memory_space<vmem>> -> memref<128xi32, #tpu.memory_space<vmem>>
    %dma_wait3A_367 = arith.constant 0 : i32
    %dma_wait3A_368 = arith.constant 0 : i32
    %dma_wait3A_369 = tpu.memref_slice %arg2[%dma_wait3A_367, %dma_wait3A_368] : memref<100000x128xf32, #tpu.memory_space<hbm>> -> memref<100000x128xf32, #tpu.memory_space<hbm>>
    tpu.wait_indirect_dma semaphore(%arg14 : memref<!tpu.dma_semaphore, #tpu.memory_space<semaphore_mem>>) src(%dma_wait3A_369 : memref<100000x128xf32, #tpu.memory_space<hbm>>) dst(%arg11 : memref<128x128xf32, #tpu.memory_space<vmem>>)
    %dma_wait3A_370 = arith.constant 9 : i32
    %dma_wait3A_371 = arith.constant 0 : i32
    %dma_wait3A_372 = tpu.memref_slice %arg9[%dma_wait3A_370, %dma_wait3A_371] : memref<13x128xi32, #tpu.memory_space<vmem>> -> memref<1x128xi32, #tpu.memory_space<vmem>>
    %dma_wait3A_373 = tpu.memref_squeeze %dma_wait3A_372 : memref<1x128xi32, #tpu.memory_space<vmem>> -> memref<128xi32, #tpu.memory_space<vmem>>
    %dma_wait3A_374 = arith.constant 0 : i32
    %dma_wait3A_375 = arith.constant 0 : i32
    %dma_wait3A_376 = tpu.memref_slice %arg7[%dma_wait3A_374, %dma_wait3A_375] : memref<100000x128xf32, #tpu.memory_space<hbm>> -> memref<100000x128xf32, #tpu.memory_space<hbm>>
    tpu.wait_indirect_dma semaphore(%arg15 : memref<!tpu.dma_semaphore, #tpu.memory_space<semaphore_mem>>) src(%arg12 : memref<128x128xf32, #tpu.memory_space<vmem>>) dst(%dma_wait3A_376 : memref<100000x128xf32, #tpu.memory_space<hbm>>)
    %dma_start3A_377 = arith.constant 11 : i32
    %dma_start3A_378 = arith.constant 0 : i32
    %dma_start3A_379 = tpu.memref_slice %arg8[%dma_start3A_377, %dma_start3A_378] : memref<13x128xi32, #tpu.memory_space<vmem>> -> memref<1x128xi32, #tpu.memory_space<vmem>>
    %dma_start3A_380 = tpu.memref_squeeze %dma_start3A_379 : memref<1x128xi32, #tpu.memory_space<vmem>> -> memref<128xi32, #tpu.memory_space<vmem>>
    %dma_start3A_381 = arith.constant 0 : i32
    %dma_start3A_382 = arith.constant 0 : i32
    %dma_start3A_383 = tpu.memref_slice %arg2[%dma_start3A_381, %dma_start3A_382] : memref<100000x128xf32, #tpu.memory_space<hbm>> -> memref<100000x128xf32, #tpu.memory_space<hbm>>
    tpu.enqueue_indirect_dma source(%dma_start3A_383 : memref<100000x128xf32, #tpu.memory_space<hbm>>) target(%arg12 : memref<128x128xf32, #tpu.memory_space<vmem>>) offsets(%dma_start3A_380 : memref<128xi32, #tpu.memory_space<vmem>>) semaphore(%arg14 : memref<!tpu.dma_semaphore, #tpu.memory_space<semaphore_mem>>)
    %dma_start3A_384 = arith.constant 10 : i32
    %dma_start3A_385 = arith.constant 0 : i32
    %dma_start3A_386 = tpu.memref_slice %arg9[%dma_start3A_384, %dma_start3A_385] : memref<13x128xi32, #tpu.memory_space<vmem>> -> memref<1x128xi32, #tpu.memory_space<vmem>>
    %dma_start3A_387 = tpu.memref_squeeze %dma_start3A_386 : memref<1x128xi32, #tpu.memory_space<vmem>> -> memref<128xi32, #tpu.memory_space<vmem>>
    %dma_start3A_388 = arith.constant 0 : i32
    %dma_start3A_389 = arith.constant 0 : i32
    %dma_start3A_390 = tpu.memref_slice %arg7[%dma_start3A_388, %dma_start3A_389] : memref<100000x128xf32, #tpu.memory_space<hbm>> -> memref<100000x128xf32, #tpu.memory_space<hbm>>
    tpu.enqueue_indirect_dma source(%arg11 : memref<128x128xf32, #tpu.memory_space<vmem>>) target(%dma_start3A_390 : memref<100000x128xf32, #tpu.memory_space<hbm>>) offsets(%dma_start3A_387 : memref<128xi32, #tpu.memory_space<vmem>>) semaphore(%arg15 : memref<!tpu.dma_semaphore, #tpu.memory_space<semaphore_mem>>)
    %dma_wait3A_391 = arith.constant 11 : i32
    %dma_wait3A_392 = arith.constant 0 : i32
    %dma_wait3A_393 = tpu.memref_slice %arg8[%dma_wait3A_391, %dma_wait3A_392] : memref<13x128xi32, #tpu.memory_space<vmem>> -> memref<1x128xi32, #tpu.memory_space<vmem>>
    %dma_wait3A_394 = tpu.memref_squeeze %dma_wait3A_393 : memref<1x128xi32, #tpu.memory_space<vmem>> -> memref<128xi32, #tpu.memory_space<vmem>>
    %dma_wait3A_395 = arith.constant 0 : i32
    %dma_wait3A_396 = arith.constant 0 : i32
    %dma_wait3A_397 = tpu.memref_slice %arg2[%dma_wait3A_395, %dma_wait3A_396] : memref<100000x128xf32, #tpu.memory_space<hbm>> -> memref<100000x128xf32, #tpu.memory_space<hbm>>
    tpu.wait_indirect_dma semaphore(%arg14 : memref<!tpu.dma_semaphore, #tpu.memory_space<semaphore_mem>>) src(%dma_wait3A_397 : memref<100000x128xf32, #tpu.memory_space<hbm>>) dst(%arg12 : memref<128x128xf32, #tpu.memory_space<vmem>>)
    %dma_wait3A_398 = arith.constant 10 : i32
    %dma_wait3A_399 = arith.constant 0 : i32
    %dma_wait3A_400 = tpu.memref_slice %arg9[%dma_wait3A_398, %dma_wait3A_399] : memref<13x128xi32, #tpu.memory_space<vmem>> -> memref<1x128xi32, #tpu.memory_space<vmem>>
    %dma_wait3A_401 = tpu.memref_squeeze %dma_wait3A_400 : memref<1x128xi32, #tpu.memory_space<vmem>> -> memref<128xi32, #tpu.memory_space<vmem>>
    %dma_wait3A_402 = arith.constant 0 : i32
    %dma_wait3A_403 = arith.constant 0 : i32
    %dma_wait3A_404 = tpu.memref_slice %arg7[%dma_wait3A_402, %dma_wait3A_403] : memref<100000x128xf32, #tpu.memory_space<hbm>> -> memref<100000x128xf32, #tpu.memory_space<hbm>>
    tpu.wait_indirect_dma semaphore(%arg15 : memref<!tpu.dma_semaphore, #tpu.memory_space<semaphore_mem>>) src(%arg11 : memref<128x128xf32, #tpu.memory_space<vmem>>) dst(%dma_wait3A_404 : memref<100000x128xf32, #tpu.memory_space<hbm>>)
    %dma_start3A_405 = arith.constant 12 : i32
    %dma_start3A_406 = arith.constant 0 : i32
    %dma_start3A_407 = tpu.memref_slice %arg8[%dma_start3A_405, %dma_start3A_406] : memref<13x128xi32, #tpu.memory_space<vmem>> -> memref<1x128xi32, #tpu.memory_space<vmem>>
    %dma_start3A_408 = tpu.memref_squeeze %dma_start3A_407 : memref<1x128xi32, #tpu.memory_space<vmem>> -> memref<128xi32, #tpu.memory_space<vmem>>
    %dma_start3A_409 = arith.constant 0 : i32
    %dma_start3A_410 = arith.constant 0 : i32
    %dma_start3A_411 = tpu.memref_slice %arg2[%dma_start3A_409, %dma_start3A_410] : memref<100000x128xf32, #tpu.memory_space<hbm>> -> memref<100000x128xf32, #tpu.memory_space<hbm>>
    tpu.enqueue_indirect_dma source(%dma_start3A_411 : memref<100000x128xf32, #tpu.memory_space<hbm>>) target(%arg11 : memref<128x128xf32, #tpu.memory_space<vmem>>) offsets(%dma_start3A_408 : memref<128xi32, #tpu.memory_space<vmem>>) semaphore(%arg14 : memref<!tpu.dma_semaphore, #tpu.memory_space<semaphore_mem>>)
    %dma_start3A_412 = arith.constant 11 : i32
    %dma_start3A_413 = arith.constant 0 : i32
    %dma_start3A_414 = tpu.memref_slice %arg9[%dma_start3A_412, %dma_start3A_413] : memref<13x128xi32, #tpu.memory_space<vmem>> -> memref<1x128xi32, #tpu.memory_space<vmem>>
    %dma_start3A_415 = tpu.memref_squeeze %dma_start3A_414 : memref<1x128xi32, #tpu.memory_space<vmem>> -> memref<128xi32, #tpu.memory_space<vmem>>
    %dma_start3A_416 = arith.constant 0 : i32
    %dma_start3A_417 = arith.constant 0 : i32
    %dma_start3A_418 = tpu.memref_slice %arg7[%dma_start3A_416, %dma_start3A_417] : memref<100000x128xf32, #tpu.memory_space<hbm>> -> memref<100000x128xf32, #tpu.memory_space<hbm>>
    tpu.enqueue_indirect_dma source(%arg12 : memref<128x128xf32, #tpu.memory_space<vmem>>) target(%dma_start3A_418 : memref<100000x128xf32, #tpu.memory_space<hbm>>) offsets(%dma_start3A_415 : memref<128xi32, #tpu.memory_space<vmem>>) semaphore(%arg15 : memref<!tpu.dma_semaphore, #tpu.memory_space<semaphore_mem>>)
    %dma_wait3A_419 = arith.constant 12 : i32
    %dma_wait3A_420 = arith.constant 0 : i32
    %dma_wait3A_421 = tpu.memref_slice %arg8[%dma_wait3A_419, %dma_wait3A_420] : memref<13x128xi32, #tpu.memory_space<vmem>> -> memref<1x128xi32, #tpu.memory_space<vmem>>
    %dma_wait3A_422 = tpu.memref_squeeze %dma_wait3A_421 : memref<1x128xi32, #tpu.memory_space<vmem>> -> memref<128xi32, #tpu.memory_space<vmem>>
    %dma_wait3A_423 = arith.constant 0 : i32
    %dma_wait3A_424 = arith.constant 0 : i32
    %dma_wait3A_425 = tpu.memref_slice %arg2[%dma_wait3A_423, %dma_wait3A_424] : memref<100000x128xf32, #tpu.memory_space<hbm>> -> memref<100000x128xf32, #tpu.memory_space<hbm>>
    tpu.wait_indirect_dma semaphore(%arg14 : memref<!tpu.dma_semaphore, #tpu.memory_space<semaphore_mem>>) src(%dma_wait3A_425 : memref<100000x128xf32, #tpu.memory_space<hbm>>) dst(%arg11 : memref<128x128xf32, #tpu.memory_space<vmem>>)
    %dma_start3A_426 = arith.constant 12 : i32
    %dma_start3A_427 = arith.constant 0 : i32
    %dma_start3A_428 = tpu.memref_slice %arg9[%dma_start3A_426, %dma_start3A_427] : memref<13x128xi32, #tpu.memory_space<vmem>> -> memref<1x128xi32, #tpu.memory_space<vmem>>
    %dma_start3A_429 = tpu.memref_squeeze %dma_start3A_428 : memref<1x128xi32, #tpu.memory_space<vmem>> -> memref<128xi32, #tpu.memory_space<vmem>>
    %dma_start3A_430 = arith.constant 0 : i32
    %dma_start3A_431 = arith.constant 0 : i32
    %dma_start3A_432 = tpu.memref_slice %arg7[%dma_start3A_430, %dma_start3A_431] : memref<100000x128xf32, #tpu.memory_space<hbm>> -> memref<100000x128xf32, #tpu.memory_space<hbm>>
    tpu.enqueue_indirect_dma source(%arg11 : memref<128x128xf32, #tpu.memory_space<vmem>>) target(%dma_start3A_432 : memref<100000x128xf32, #tpu.memory_space<hbm>>) offsets(%dma_start3A_429 : memref<128xi32, #tpu.memory_space<vmem>>) semaphore(%arg15 : memref<!tpu.dma_semaphore, #tpu.memory_space<semaphore_mem>>)
    %dma_wait3A_433 = arith.constant 12 : i32
    %dma_wait3A_434 = arith.constant 0 : i32
    %dma_wait3A_435 = tpu.memref_slice %arg9[%dma_wait3A_433, %dma_wait3A_434] : memref<13x128xi32, #tpu.memory_space<vmem>> -> memref<1x128xi32, #tpu.memory_space<vmem>>
    %dma_wait3A_436 = tpu.memref_squeeze %dma_wait3A_435 : memref<1x128xi32, #tpu.memory_space<vmem>> -> memref<128xi32, #tpu.memory_space<vmem>>
    %dma_wait3A_437 = arith.constant 0 : i32
    %dma_wait3A_438 = arith.constant 0 : i32
    %dma_wait3A_439 = tpu.memref_slice %arg7[%dma_wait3A_437, %dma_wait3A_438] : memref<100000x128xf32, #tpu.memory_space<hbm>> -> memref<100000x128xf32, #tpu.memory_space<hbm>>
    tpu.wait_indirect_dma semaphore(%arg15 : memref<!tpu.dma_semaphore, #tpu.memory_space<semaphore_mem>>) src(%arg11 : memref<128x128xf32, #tpu.memory_space<vmem>>) dst(%dma_wait3A_439 : memref<100000x128xf32, #tpu.memory_space<hbm>>)
    %dma_wait3A_440 = arith.constant 11 : i32
    %dma_wait3A_441 = arith.constant 0 : i32
    %dma_wait3A_442 = tpu.memref_slice %arg9[%dma_wait3A_440, %dma_wait3A_441] : memref<13x128xi32, #tpu.memory_space<vmem>> -> memref<1x128xi32, #tpu.memory_space<vmem>>
    %dma_wait3A_443 = tpu.memref_squeeze %dma_wait3A_442 : memref<1x128xi32, #tpu.memory_space<vmem>> -> memref<128xi32, #tpu.memory_space<vmem>>
    %dma_wait3A_444 = arith.constant 0 : i32
    %dma_wait3A_445 = arith.constant 0 : i32
    %dma_wait3A_446 = tpu.memref_slice %arg7[%dma_wait3A_444, %dma_wait3A_445] : memref<100000x128xf32, #tpu.memory_space<hbm>> -> memref<100000x128xf32, #tpu.memory_space<hbm>>
    tpu.wait_indirect_dma semaphore(%arg15 : memref<!tpu.dma_semaphore, #tpu.memory_space<semaphore_mem>>) src(%arg12 : memref<128x128xf32, #tpu.memory_space<vmem>>) dst(%dma_wait3A_446 : memref<100000x128xf32, #tpu.memory_space<hbm>>)
    %dma_wait3A_447 = arith.constant 0 : i32
    %dma_wait3A_448 = arith.constant 0 : i32
    %dma_wait3A_449 = tpu.memref_slice %arg10[%dma_wait3A_447, %dma_wait3A_448] : memref<12x128xi32, #tpu.memory_space<vmem>> -> memref<1x128xi32, #tpu.memory_space<vmem>>
    %dma_wait3A_450 = tpu.memref_squeeze %dma_wait3A_449 : memref<1x128xi32, #tpu.memory_space<vmem>> -> memref<128xi32, #tpu.memory_space<vmem>>
    %dma_wait3A_451 = arith.constant 0 : i32
    %dma_wait3A_452 = arith.constant 0 : i32
    %dma_wait3A_453 = tpu.memref_slice %arg7[%dma_wait3A_451, %dma_wait3A_452] : memref<100000x128xf32, #tpu.memory_space<hbm>> -> memref<100000x128xf32, #tpu.memory_space<hbm>>
    tpu.wait_indirect_dma semaphore(%arg16 : memref<!tpu.dma_semaphore, #tpu.memory_space<semaphore_mem>>) src(%arg13 : memref<128x128xf32, #tpu.memory_space<vmem>>) dst(%dma_wait3A_453 : memref<100000x128xf32, #tpu.memory_space<hbm>>)
    %dma_wait3A_454 = arith.constant 1 : i32
    %dma_wait3A_455 = arith.constant 0 : i32
    %dma_wait3A_456 = tpu.memref_slice %arg10[%dma_wait3A_454, %dma_wait3A_455] : memref<12x128xi32, #tpu.memory_space<vmem>> -> memref<1x128xi32, #tpu.memory_space<vmem>>
    %dma_wait3A_457 = tpu.memref_squeeze %dma_wait3A_456 : memref<1x128xi32, #tpu.memory_space<vmem>> -> memref<128xi32, #tpu.memory_space<vmem>>
    %dma_wait3A_458 = arith.constant 0 : i32
    %dma_wait3A_459 = arith.constant 0 : i32
    %dma_wait3A_460 = tpu.memref_slice %arg7[%dma_wait3A_458, %dma_wait3A_459] : memref<100000x128xf32, #tpu.memory_space<hbm>> -> memref<100000x128xf32, #tpu.memory_space<hbm>>
    tpu.wait_indirect_dma semaphore(%arg16 : memref<!tpu.dma_semaphore, #tpu.memory_space<semaphore_mem>>) src(%arg13 : memref<128x128xf32, #tpu.memory_space<vmem>>) dst(%dma_wait3A_460 : memref<100000x128xf32, #tpu.memory_space<hbm>>)
    %dma_wait3A_461 = arith.constant 2 : i32
    %dma_wait3A_462 = arith.constant 0 : i32
    %dma_wait3A_463 = tpu.memref_slice %arg10[%dma_wait3A_461, %dma_wait3A_462] : memref<12x128xi32, #tpu.memory_space<vmem>> -> memref<1x128xi32, #tpu.memory_space<vmem>>
    %dma_wait3A_464 = tpu.memref_squeeze %dma_wait3A_463 : memref<1x128xi32, #tpu.memory_space<vmem>> -> memref<128xi32, #tpu.memory_space<vmem>>
    %dma_wait3A_465 = arith.constant 0 : i32
    %dma_wait3A_466 = arith.constant 0 : i32
    %dma_wait3A_467 = tpu.memref_slice %arg7[%dma_wait3A_465, %dma_wait3A_466] : memref<100000x128xf32, #tpu.memory_space<hbm>> -> memref<100000x128xf32, #tpu.memory_space<hbm>>
    tpu.wait_indirect_dma semaphore(%arg16 : memref<!tpu.dma_semaphore, #tpu.memory_space<semaphore_mem>>) src(%arg13 : memref<128x128xf32, #tpu.memory_space<vmem>>) dst(%dma_wait3A_467 : memref<100000x128xf32, #tpu.memory_space<hbm>>)
    %dma_wait3A_468 = arith.constant 3 : i32
    %dma_wait3A_469 = arith.constant 0 : i32
    %dma_wait3A_470 = tpu.memref_slice %arg10[%dma_wait3A_468, %dma_wait3A_469] : memref<12x128xi32, #tpu.memory_space<vmem>> -> memref<1x128xi32, #tpu.memory_space<vmem>>
    %dma_wait3A_471 = tpu.memref_squeeze %dma_wait3A_470 : memref<1x128xi32, #tpu.memory_space<vmem>> -> memref<128xi32, #tpu.memory_space<vmem>>
    %dma_wait3A_472 = arith.constant 0 : i32
    %dma_wait3A_473 = arith.constant 0 : i32
    %dma_wait3A_474 = tpu.memref_slice %arg7[%dma_wait3A_472, %dma_wait3A_473] : memref<100000x128xf32, #tpu.memory_space<hbm>> -> memref<100000x128xf32, #tpu.memory_space<hbm>>
    tpu.wait_indirect_dma semaphore(%arg16 : memref<!tpu.dma_semaphore, #tpu.memory_space<semaphore_mem>>) src(%arg13 : memref<128x128xf32, #tpu.memory_space<vmem>>) dst(%dma_wait3A_474 : memref<100000x128xf32, #tpu.memory_space<hbm>>)
    %dma_wait3A_475 = arith.constant 4 : i32
    %dma_wait3A_476 = arith.constant 0 : i32
    %dma_wait3A_477 = tpu.memref_slice %arg10[%dma_wait3A_475, %dma_wait3A_476] : memref<12x128xi32, #tpu.memory_space<vmem>> -> memref<1x128xi32, #tpu.memory_space<vmem>>
    %dma_wait3A_478 = tpu.memref_squeeze %dma_wait3A_477 : memref<1x128xi32, #tpu.memory_space<vmem>> -> memref<128xi32, #tpu.memory_space<vmem>>
    %dma_wait3A_479 = arith.constant 0 : i32
    %dma_wait3A_480 = arith.constant 0 : i32
    %dma_wait3A_481 = tpu.memref_slice %arg7[%dma_wait3A_479, %dma_wait3A_480] : memref<100000x128xf32, #tpu.memory_space<hbm>> -> memref<100000x128xf32, #tpu.memory_space<hbm>>
    tpu.wait_indirect_dma semaphore(%arg16 : memref<!tpu.dma_semaphore, #tpu.memory_space<semaphore_mem>>) src(%arg13 : memref<128x128xf32, #tpu.memory_space<vmem>>) dst(%dma_wait3A_481 : memref<100000x128xf32, #tpu.memory_space<hbm>>)
    %dma_wait3A_482 = arith.constant 5 : i32
    %dma_wait3A_483 = arith.constant 0 : i32
    %dma_wait3A_484 = tpu.memref_slice %arg10[%dma_wait3A_482, %dma_wait3A_483] : memref<12x128xi32, #tpu.memory_space<vmem>> -> memref<1x128xi32, #tpu.memory_space<vmem>>
    %dma_wait3A_485 = tpu.memref_squeeze %dma_wait3A_484 : memref<1x128xi32, #tpu.memory_space<vmem>> -> memref<128xi32, #tpu.memory_space<vmem>>
    %dma_wait3A_486 = arith.constant 0 : i32
    %dma_wait3A_487 = arith.constant 0 : i32
    %dma_wait3A_488 = tpu.memref_slice %arg7[%dma_wait3A_486, %dma_wait3A_487] : memref<100000x128xf32, #tpu.memory_space<hbm>> -> memref<100000x128xf32, #tpu.memory_space<hbm>>
    tpu.wait_indirect_dma semaphore(%arg16 : memref<!tpu.dma_semaphore, #tpu.memory_space<semaphore_mem>>) src(%arg13 : memref<128x128xf32, #tpu.memory_space<vmem>>) dst(%dma_wait3A_488 : memref<100000x128xf32, #tpu.memory_space<hbm>>)
    %dma_wait3A_489 = arith.constant 6 : i32
    %dma_wait3A_490 = arith.constant 0 : i32
    %dma_wait3A_491 = tpu.memref_slice %arg10[%dma_wait3A_489, %dma_wait3A_490] : memref<12x128xi32, #tpu.memory_space<vmem>> -> memref<1x128xi32, #tpu.memory_space<vmem>>
    %dma_wait3A_492 = tpu.memref_squeeze %dma_wait3A_491 : memref<1x128xi32, #tpu.memory_space<vmem>> -> memref<128xi32, #tpu.memory_space<vmem>>
    %dma_wait3A_493 = arith.constant 0 : i32
    %dma_wait3A_494 = arith.constant 0 : i32
    %dma_wait3A_495 = tpu.memref_slice %arg7[%dma_wait3A_493, %dma_wait3A_494] : memref<100000x128xf32, #tpu.memory_space<hbm>> -> memref<100000x128xf32, #tpu.memory_space<hbm>>
    tpu.wait_indirect_dma semaphore(%arg16 : memref<!tpu.dma_semaphore, #tpu.memory_space<semaphore_mem>>) src(%arg13 : memref<128x128xf32, #tpu.memory_space<vmem>>) dst(%dma_wait3A_495 : memref<100000x128xf32, #tpu.memory_space<hbm>>)
    %dma_wait3A_496 = arith.constant 7 : i32
    %dma_wait3A_497 = arith.constant 0 : i32
    %dma_wait3A_498 = tpu.memref_slice %arg10[%dma_wait3A_496, %dma_wait3A_497] : memref<12x128xi32, #tpu.memory_space<vmem>> -> memref<1x128xi32, #tpu.memory_space<vmem>>
    %dma_wait3A_499 = tpu.memref_squeeze %dma_wait3A_498 : memref<1x128xi32, #tpu.memory_space<vmem>> -> memref<128xi32, #tpu.memory_space<vmem>>
    %dma_wait3A_500 = arith.constant 0 : i32
    %dma_wait3A_501 = arith.constant 0 : i32
    %dma_wait3A_502 = tpu.memref_slice %arg7[%dma_wait3A_500, %dma_wait3A_501] : memref<100000x128xf32, #tpu.memory_space<hbm>> -> memref<100000x128xf32, #tpu.memory_space<hbm>>
    tpu.wait_indirect_dma semaphore(%arg16 : memref<!tpu.dma_semaphore, #tpu.memory_space<semaphore_mem>>) src(%arg13 : memref<128x128xf32, #tpu.memory_space<vmem>>) dst(%dma_wait3A_502 : memref<100000x128xf32, #tpu.memory_space<hbm>>)
    %dma_wait3A_503 = arith.constant 8 : i32
    %dma_wait3A_504 = arith.constant 0 : i32
    %dma_wait3A_505 = tpu.memref_slice %arg10[%dma_wait3A_503, %dma_wait3A_504] : memref<12x128xi32, #tpu.memory_space<vmem>> -> memref<1x128xi32, #tpu.memory_space<vmem>>
    %dma_wait3A_506 = tpu.memref_squeeze %dma_wait3A_505 : memref<1x128xi32, #tpu.memory_space<vmem>> -> memref<128xi32, #tpu.memory_space<vmem>>
    %dma_wait3A_507 = arith.constant 0 : i32
    %dma_wait3A_508 = arith.constant 0 : i32
    %dma_wait3A_509 = tpu.memref_slice %arg7[%dma_wait3A_507, %dma_wait3A_508] : memref<100000x128xf32, #tpu.memory_space<hbm>> -> memref<100000x128xf32, #tpu.memory_space<hbm>>
    tpu.wait_indirect_dma semaphore(%arg16 : memref<!tpu.dma_semaphore, #tpu.memory_space<semaphore_mem>>) src(%arg13 : memref<128x128xf32, #tpu.memory_space<vmem>>) dst(%dma_wait3A_509 : memref<100000x128xf32, #tpu.memory_space<hbm>>)
    %dma_wait3A_510 = arith.constant 9 : i32
    %dma_wait3A_511 = arith.constant 0 : i32
    %dma_wait3A_512 = tpu.memref_slice %arg10[%dma_wait3A_510, %dma_wait3A_511] : memref<12x128xi32, #tpu.memory_space<vmem>> -> memref<1x128xi32, #tpu.memory_space<vmem>>
    %dma_wait3A_513 = tpu.memref_squeeze %dma_wait3A_512 : memref<1x128xi32, #tpu.memory_space<vmem>> -> memref<128xi32, #tpu.memory_space<vmem>>
    %dma_wait3A_514 = arith.constant 0 : i32
    %dma_wait3A_515 = arith.constant 0 : i32
    %dma_wait3A_516 = tpu.memref_slice %arg7[%dma_wait3A_514, %dma_wait3A_515] : memref<100000x128xf32, #tpu.memory_space<hbm>> -> memref<100000x128xf32, #tpu.memory_space<hbm>>
    tpu.wait_indirect_dma semaphore(%arg16 : memref<!tpu.dma_semaphore, #tpu.memory_space<semaphore_mem>>) src(%arg13 : memref<128x128xf32, #tpu.memory_space<vmem>>) dst(%dma_wait3A_516 : memref<100000x128xf32, #tpu.memory_space<hbm>>)
    %dma_wait3A_517 = arith.constant 10 : i32
    %dma_wait3A_518 = arith.constant 0 : i32
    %dma_wait3A_519 = tpu.memref_slice %arg10[%dma_wait3A_517, %dma_wait3A_518] : memref<12x128xi32, #tpu.memory_space<vmem>> -> memref<1x128xi32, #tpu.memory_space<vmem>>
    %dma_wait3A_520 = tpu.memref_squeeze %dma_wait3A_519 : memref<1x128xi32, #tpu.memory_space<vmem>> -> memref<128xi32, #tpu.memory_space<vmem>>
    %dma_wait3A_521 = arith.constant 0 : i32
    %dma_wait3A_522 = arith.constant 0 : i32
    %dma_wait3A_523 = tpu.memref_slice %arg7[%dma_wait3A_521, %dma_wait3A_522] : memref<100000x128xf32, #tpu.memory_space<hbm>> -> memref<100000x128xf32, #tpu.memory_space<hbm>>
    tpu.wait_indirect_dma semaphore(%arg16 : memref<!tpu.dma_semaphore, #tpu.memory_space<semaphore_mem>>) src(%arg13 : memref<128x128xf32, #tpu.memory_space<vmem>>) dst(%dma_wait3A_523 : memref<100000x128xf32, #tpu.memory_space<hbm>>)
    %dma_wait3A_524 = arith.constant 11 : i32
    %dma_wait3A_525 = arith.constant 0 : i32
    %dma_wait3A_526 = tpu.memref_slice %arg10[%dma_wait3A_524, %dma_wait3A_525] : memref<12x128xi32, #tpu.memory_space<vmem>> -> memref<1x128xi32, #tpu.memory_space<vmem>>
    %dma_wait3A_527 = tpu.memref_squeeze %dma_wait3A_526 : memref<1x128xi32, #tpu.memory_space<vmem>> -> memref<128xi32, #tpu.memory_space<vmem>>
    %dma_wait3A_528 = arith.constant 0 : i32
    %dma_wait3A_529 = arith.constant 0 : i32
    %dma_wait3A_530 = tpu.memref_slice %arg7[%dma_wait3A_528, %dma_wait3A_529] : memref<100000x128xf32, #tpu.memory_space<hbm>> -> memref<100000x128xf32, #tpu.memory_space<hbm>>
    tpu.wait_indirect_dma semaphore(%arg16 : memref<!tpu.dma_semaphore, #tpu.memory_space<semaphore_mem>>) src(%arg13 : memref<128x128xf32, #tpu.memory_space<vmem>>) dst(%dma_wait3A_530 : memref<100000x128xf32, #tpu.memory_space<hbm>>)
    return
  }
}

</mosaic_0001>

<sc_bundles>
// kernel: _sc_call.3.cloned.1.call-start
scs
__scs_entry_jumppad:
0x0: {  	(pc) =	sbr.rel $0x88, $3  }
0x1: {  	(tag) =	ssettag $0x0;
	lr =	simm.s32 $0x1  }
0x2: {  	[smem:$0x3F9C] =	sst lr;
	_ =	strace $0xD0000000  }
0x3: {  	_ = 	snop  }
0x4: {  	_ = 	snop  }
0x5: {  	_ = 	snop  }
0x6: {  	_ = 	snop  }
0x7: {  	_ = 	snop  }
__scs_overlays_trampoline_lowered:
0x8: {  	[smem:$0x3FAB] =	sst s0  }
0x9: {  	[smem:$0x3FAC] =	sst s1  }
0xa: {  	[smem:$0x3FAD] =	sst s2  }
0xb: {  	[smem:$0x3FAE] =	sst s3  }
0xc: {  	[smem:$0x3FAF] =	sst s4  }
0xd: {  	[smem:$0x3FB0] =	sst s5  }
0xe: {  	[smem:$0x3FB1] =	sst s6  }
0xf: {  	[smem:$0x3FB2] =	sst s7  }
0x10: {  	[smem:$0x3FB3] =	sst s8  }
0x11: {  	[smem:$0x3FB4] =	sst s9;
	s0 =	simm.s32 @!p0 $0x0  }
0x12: {  	s1 =	sld [smem:$0x3F9A];
	s0 =	simm.s32 @p0 $0x1  }
0x13: {  	[smem:$0x3FB5] =	sst s0;
	s0 =	simm.s32 @!p1 $0x0  }
0x14: {  	s2 =	sld [smem:$0x3F99];
	s0 =	simm.s32 @p1 $0x1  }
0x15: {  	[smem:$0x3FB6] =	sst s0;
	s0 =	simm.s32 @!p2 $0x0  }
0x16: {  	s3 =	sld [smem:$0x3FDB];
	s0 =	simm.s32 @p2 $0x1  }
0x17: {  	s4 =	simm.s32 $0x1BF5;
	[smem:$0x3FB8] =	sst s0  }
0x18: {  	s0 =	sld [smem:$0x3F9B];
	_ =	swait.ge [sflag:s4], $0x0  }
0x19: {  	s7 =	sld [smem:$0x3F9C]  }
0x1a: {  	s8 =	sadd.s32 $0xFFFFE003, lr  }
0x1b: {  	s9 =	sadd.s32 $0xFFFFFEF7, lr;
	s5 =	simm.s32 $0xFFFFFFFF;
	p2 =	slt.u32 s8, $0xFFFFF086  }
0x1c: {  	p1 =	slt.u32 s9, $0xF7A;
	s5 =	simm.s32 @!p2 $0x0  }
0x1d: {  	s5 =	simm.s32 @p1 $0x1;
	p0 =	seq.s32 s7, s2  }
0x1e: {  	s7 =	smul.u32 @!p0 $0xF7A, s2;
	p2 =	seq.s32 @!p0 s5, $0x0  }
0x1f: {  	s9 =	smul.u32 $0xF7A, s1;
	s8 =	simm.s32 @!p0 $0x1BF5;
	p2 =	por !p2, p0  }
0x20: {  	[sflag:s8] =	ssyncset.s32 @!p0 $0xFFFFF086;
	s6 =	sadd.s32 @!p0 s3, s7;
	s7 =	simm.s32 @!p0 $0x108  }
0x21: {  	s3 =	sadd.s32 s3, s9;
	s6 =	sadd.s32 @!p0 $0x88, s6;
	s7 =	simm.s32 @p2 $0x1082  }
0x22: {  	[simem:s7], [sflag:s8] =	dma.local @!p0 [hbm:s6], $0xF7A  }
0x23: {  	s9 =	sor.u32 $0xD0000000, s2;
	s6 =	simm.s32 $0x108;
	_ =	swait.ge @!p0 [sflag:s8], $0x0  }
0x24: {  	s3 =	sadd.s32 $0x88, s3;
	s6 =	simm.s32 @!p1 $0x1082;
	[sflag:s4] =	ssyncset.s32 $0xFFFFF086  }
0x25: {  	[simem:s6], [sflag:s4] =	dma.local [hbm:s3], $0xF7A  }
0x26: {  	[smem:$0x3F9C] =	sst s1;
	(tag) =	ssettag s2;
	_ =	strace s9  }
0x27: {  	s1 =	sld [smem:$0x3FAC]  }
0x28: {  	s2 =	sld [smem:$0x3FAD]  }
0x29: {  	s4 =	sld [smem:$0x3FAF]  }
0x2a: {  	p0 =	seq.s32 s5, $0x0;
	s5 =	sld [smem:$0x3FB0]  }
0x2b: {  	s6 =	sld [smem:$0x3FB1]  }
0x2c: {  	s7 =	sld [smem:$0x3FB2]  }
0x2d: {  	s3 =	simm.s32 $0x108;
	s8 =	sld [smem:$0x3FB3]  }
0x2e: {  	s3 =	simm.s32 @!p0 $0x1082;
	s9 =	sld [smem:$0x3FB4]  }
0x2f: {  	lr =	sadd.s32 s0, s3;
	s0 =	sld [smem:$0x3FAB]  }
0x30: {  	s3 =	sld [smem:$0x3FAE]  }
0x31: {  	[smem:$0x3FB7] =	sst s10  }
0x32: {  	s10 =	sld [smem:$0x3FB5];
	_ =	sdelay $0x3  }
0x33: {  	p0 =	seq.s32 s10, $0x1;
	s10 =	sld [smem:$0x3FB7];
	_ =	sdelay $0x3  }
0x34: {  	[smem:$0x3FB7] =	sst s10  }
0x35: {  	s10 =	sld [smem:$0x3FB6];
	_ =	sdelay $0x3  }
0x36: {  	p1 =	seq.s32 s10, $0x1;
	s10 =	sld [smem:$0x3FB7];
	_ =	sdelay $0x3  }
0x37: {  	[smem:$0x3FB7] =	sst s10  }
0x38: {  	s10 =	sld [smem:$0x3FB8]  }
0x39: {  	_ = 	snop;
	(pc) =	sbr.ind lr, $3  }
0x3a: {  	_ = 	snop  }
0x3b: {  	_ = 	snop  }
0x3c: {  	p2 =	seq.s32 s10, $0x1;
	s10 =	sld [smem:$0x3FB7]  }
0x3d: {  	_ =	shalt  }
0x3e: {  	_ =	shalt  }
0x3f: {  	_ =	shalt  }
0x40: {  	_ =	shalt  }
0x41: {  	_ =	shalt  }
0x42: {  	_ =	shalt  }
0x43: {  	_ =	shalt  }
0x44: {  	_ =	shalt  }
0x45: {  	_ =	shalt  }
0x46: {  	_ =	shalt  }
0x47: {  	_ =	shalt  }
0x48: {  	_ =	shalt  }
0x49: {  	_ =	shalt  }
0x4a: {  	_ =	shalt  }
0x4b: {  	_ =	shalt  }
0x4c: {  	_ =	shalt  }
0x4d: {  	_ =	shalt  }
0x4e: {  	_ =	shalt  }
0x4f: {  	_ =	shalt  }
0x50: {  	_ =	shalt  }
0x51: {  	_ =	shalt  }
0x52: {  	_ =	shalt  }
0x53: {  	_ =	shalt  }
0x54: {  	_ =	shalt  }
0x55: {  	_ =	shalt  }
0x56: {  	_ =	shalt  }
0x57: {  	_ =	shalt  }
0x58: {  	_ =	shalt  }
0x59: {  	_ =	shalt  }
0x5a: {  	_ =	shalt  }
0x5b: {  	_ =	shalt  }
0x5c: {  	_ =	shalt  }
0x5d: {  	_ =	shalt  }
0x5e: {  	_ =	shalt  }
0x5f: {  	_ =	shalt  }
0x60: {  	_ =	shalt  }
0x61: {  	_ =	shalt  }
0x62: {  	_ =	shalt  }
0x63: {  	_ =	shalt  }
0x64: {  	_ =	shalt  }
0x65: {  	_ =	shalt  }
0x66: {  	_ =	shalt  }
0x67: {  	_ =	shalt  }
0x68: {  	_ =	shalt  }
0x69: {  	_ =	shalt  }
0x6a: {  	_ =	shalt  }
0x6b: {  	_ =	shalt  }
0x6c: {  	_ =	shalt  }
0x6d: {  	_ =	shalt  }
0x6e: {  	_ =	shalt  }
0x6f: {  	_ =	shalt  }
0x70: {  	_ =	shalt  }
0x71: {  	_ =	shalt  }
0x72: {  	_ =	shalt  }
0x73: {  	_ =	shalt  }
0x74: {  	_ =	shalt  }
0x75: {  	_ =	shalt  }
0x76: {  	_ =	shalt  }
0x77: {  	_ =	shalt  }
0x78: {  	_ =	shalt  }
0x79: {  	_ =	shalt  }
0x7a: {  	_ =	shalt  }
0x7b: {  	_ =	shalt  }
0x7c: {  	_ =	shalt  }
0x7d: {  	_ =	shalt  }
0x7e: {  	_ =	shalt  }
0x7f: {  	_ =	shalt  }
0x80: {  	_ =	shalt  }
0x81: {  	_ =	shalt  }
0x82: {  	_ =	shalt  }
0x83: {  	_ =	shalt  }
0x84: {  	_ =	shalt  }
0x85: {  	_ =	shalt  }
0x86: {  	_ =	shalt  }
0x87: {  	_ =	shalt  }
.Lfunc_end0:
.L_simem_size_0:
called_computation_lowered:
.L_overlay_start_0:
0x88: {  	s2 =	sld [smem:$0x3FD9]  }
0x89: {  	s3 =	sld [smem:$0x3FFE];
	_ =	sdelay $0x1  }
0x8a: {  	s1 =	srdreg.scid  }
0x8b: {  	s0 =	sand.u32 $0x1, s1  }
0x8c: {  	s17 =	sshll.u32 s0, $0xA;
	s2 =	sadd.s32 s3, s2  }
0x8d: {  	s2 =	sadd.s32 s2, s17  }
0x8e: {  	[smem:$0x3FC3] =	sst s2  }
0x8f: {  	_ = 	snop  }
0x90: {  	s2 =	sld [smem:$0x3FC9]  }
0x91: {  	s18 =	sld [smem:$0x3FC8]  }
0x92: {  	s4 =	sld [smem:$0x3FD0];
	(tm) =	ssettm $0x1  }
0x93: {  	s5 =	sld [smem:$0x3FFB];
	_ =	sdelay $0x3  }
0x94: {  	_ =	strace s5  }
0x95: {  	s5 =	sld [smem:$0x3FFC];
	_ =	sdelay $0x3  }
0x96: {  	_ =	strace s5  }
0x97: {  	s5 =	sld [smem:$0x3FFD];
	_ =	sdelay $0x3  }
0x98: {  	_ =	strace s5  }
0x99: {  	_ =	strace $0x8FFFFFFF  }
0x9a: {  	s19 =	sld [smem:$0x3FDB];
	_ =	sdelay $0x1  }
0x9b: {  	s6 =	simm.s32 $_scs_section_size  }
0x9c: {  	s7 =	simm.s32 $_size__tile_overlayer_lowered;
	s8 =	simm.s32 $_tile_overlayer_lowered  }
0x9d: {  	s22 =	simm.s32 $0x1BFF;
	s21 =	sshll.u32 s8, $0x1;
	s5 =	sadd.s32 s6, s19  }
0x9e: {  	s9 =	simm.s32 $0x0;
	s20 =	sshll.u32 s7, $0x1;
	s7 =	sadd.s32 s21, s5  }
0x9f: {  	[timem:s9], [sflag:s22] =	dma.local [hbm:s7], s20  }
0xa0: {  	_ =	swait.ge [sflag:s22], s20  }
0xa1: {  	s6 =	ssub.s32 $0x0, s20;
	[sflag:s22] =	ssyncset.done $0x0  }
0xa2: {  	[sflag:s22] =	ssyncadd.s32 s6;
	_ =	sdelay $0x1  }
0xa3: {  	s23 =	simm.s32 $0x1B8B  }
0xa4: {  	_ =	swait.ge [sflag:s23], $0x1  }
0xa5: {  	[sflag:s23] =	ssyncset.done $0x0  }
0xa6: {  	s25 =	simm.s32 $0x1B8E;
	s24 =	sld [smem:$0x3FFE];
	[sflag:s23] =	ssyncadd.s32 $0xFFFFFFFF  }
0xa7: {  	s26 =	simm.s32 $execute0_lowered;
	[smem:$0x3FD2] =	sst s25  }
0xa8: {  	s7 =	sshll.u32 s26, $0x1;
	_ =	strace $0x80000046;
	[dreg:$0x1] =	wrdreg $0xFFFFFFFF  }
0xa9: {  	s28 =	simm.s32 $_size_execute0_lowered;
	s5 =	sadd.s32 s5, s7;
	[dreg:$0x0] =	wrdreg $0x0  }
0xaa: {  	s7 =	sshll.u32 s28, $0x1;
	[dreg:$0x2] =	wrdreg s5  }
0xab: {  	[dreg:$0x3] =	wrdreg s7  }
0xac: {  	[dreg:$0x4] =	wrdreg $0xC0  }
0xad: {  	_ =	task [dreg:s9], $0x5FFFF  }
0xae: {  	[dreg:$0x1] =	wrdreg $0xFFFFFFFF  }
0xaf: {  	[dreg:$0x0] =	wrdreg $0x60  }
0xb0: {  	[dreg:$0x2] =	wrdreg s2  }
0xb1: {  	[dreg:$0x3] =	wrdreg s18  }
0xb2: {  	[dreg:$0x4] =	wrdreg s24  }
0xb3: {  	[dreg:$0x5] =	wrdreg s4  }
0xb4: {  	[dreg:$0x6] =	wrdreg $0x9  }
0xb5: {  	_ =	task.clear_ibuf [dreg:s9], $0x7FFFF;
	_ =	strace $0x90000046  }
0xb6: {  	s29 =	simm.s32 $0x9;
	_ =	strace $0x80000048  }
0xb7: {  	_ =	swait.ge [sflag:s29], $0x1  }
0xb8: {  	[sflag:s29] =	ssyncadd.s32 $0xFFFFFFFF  }
0xb9: {  	_ =	strace $0x90000048  }
0xba: {  	_ =	sfence  }
0xbb: {  	s30 =	sld [smem:$0x0];
	_ =	sdelay $0x2  }
0xbc: {  	s31 =	sshll.u32 s1, $0xD;
	s1 =	sshrl.u32 s1, $0x2  }
0xbd: {  	s3 =	sand.u32 $0x4000, s31;
	s1 =	sadd.s32 s1, s30  }
0xbe: {  	s0 =	sor.u32 s3, s0;
	s1 =	sshll.u32 s1, $0x11  }
0xbf: {  	s0 =	sor.u32 s1, s0  }
0xc0: {  	s0 =	sadd.s32 $0x8F2B, s0  }
0xc1: {  	[sflag:s0] =	ssyncadd.remote.s32 $0x1  }
0xc2: {  	_ =	sfence.sel $0xFFFF  }
0xc3: {  	[dreg:$0x0] =	wrdreg $0xFFFFFFFF;
	(pc) =	sbr.abs _section_cstart, $3  }
0xc4: {  	[dreg:$0x1] =	wrdreg $0xFFFFFFFF  }
0xc5: {  	_ =	task.clear_ibuf [dreg:s9], $0x2FFFF;
	_ =	strace $0x9FFFFFFF  }
0xc6: {  	(tm) =	ssettm $0x7FFFFFFF  }
0xc7: {  	_ =	shalt  }
tec
execute0_lowered:
.L_overlay_start_1:
0x0: {  	(tag) =	ssettag $0x1  }
0x1: {  	s2 =	rddreg [dreg:$0x0]  }
0x2: {  	s0 =	rddreg [dreg:$0x1]  }
0x3: {  	s1 =	rddreg [dreg:$0x2]  }
0x4: {  	s3 =	rddreg [dreg:$0x3]  }
0x5: {  	s21 =	simm.s32 $0x0;
	[dreg:$0x5] =	wrdreg s0  }
0x6: {  	s6 =	simm.s32 $0x1080;
	[smem:$0x7FF] =	sst s21  }
0x7: {  	s7 =	simm.s32 $0x1100;
	_ =	strace $0x80000047;
	[dreg:$0x9] =	wrdreg s6  }
0x8: {  	s8 =	simm.s32 $0x1180;
	[dreg:$0xa] =	wrdreg s7  }
0x9: {  	s4 =	srdreg.scid;
	s9 =	simm.s32 $0x1200;
	[dreg:$0xb] =	wrdreg s8  }
0xa: {  	s10 =	stileid.u32;
	s11 =	simm.s32 $0x1280;
	[dreg:$0xc] =	wrdreg s9  }
0xb: {  	s12 =	simm.s32 $0x1300;
	s13 =	simm.s32 $0x1380;
	[dreg:$0xd] =	wrdreg s11  }
0xc: {  	s14 =	simm.s32 $0x1400;
	s16 =	simm.s32 $0x1480;
	[dreg:$0xe] =	wrdreg s12  }
0xd: {  	s17 =	simm.s32 $0x1500;
	s18 =	simm.s32 $0x1580;
	[dreg:$0xf] =	wrdreg s13  }
0xe: {  	s30 =	simm.s32 $0x4;
	s19 =	simm.s32 $0x100;
	[dreg:$0x10] =	wrdreg s14  }
0xf: {  	s28 =	simm.s32 $0x800;
	s20 =	simm.s32 $0x880;
	[dreg:$0x11] =	wrdreg s16  }
0x10: {  	s31 =	simm.s32 $0x1000;
	s22 =	simm.s32 $0x180;
	[dreg:$0x12] =	wrdreg s17  }
0x11: {  	s29 =	simm.s32 $0x9800;
	s23 =	simm.s32 $0x900;
	[dreg:$0x13] =	wrdreg s18  }
0x12: {  	s24 =	simm.s32 $0x200;
	s25 =	simm.s32 $0x980;
	[dreg:$0x14] =	wrdreg s19  }
0x13: {  	s26 =	simm.s32 $0x280;
	p0 =	por $0x0, $0x0;
	[dreg:$0x15] =	wrdreg s20  }
0x14: {  	s0 =	sand.u32 $0x1, s4;
	s4 =	sshll.u32 s10, $0x9;
	[dreg:$0x16] =	wrdreg s22  }
0x15: {  	s5 =	sshll.u32 s0, $0x8;
	s0 =	ssub.s32 $0x2, s0;
	[dreg:$0x17] =	wrdreg s23  }
0x16: {  	s6 =	simm.s32 $0x1800;
	[dreg:$0x18] =	wrdreg s24;
	s8 =	simm.s32 $0x1  }
0x17: {  	[dreg:$0x19] =	wrdreg s25;
	s9 =	simm.s32 $0x5800;
	s7 =	simm.s32 $0x2  }
0x18: {  	[dreg:$0x1a] =	wrdreg s26;
	s16 =	simm.s32 $0xA00;
	s25 =	simm.s32 $0x300  }
0x19: {  	s26 =	simm.s32 $0xA80;
	s23 =	simm.s32 $0x380;
	s24 =	simm.s32 $0xB00  }
0x1a: {  	s20 =	simm.s32 $0x400;
	s22 =	simm.s32 $0xB80;
	s15 =	sshrl.u32 s0, $0x1  }
0x1b: {  	s18 =	simm.s32 $0x480;
	s19 =	simm.s32 $0xC00;
	s0 =	ssub.s32 s0, s15  }
0x1c: {  	s17 =	simm.s32 $0xC80;
	s4 =	sor.u32 s5, s4;
	s0 =	smax.u32 s0, $0x1  }
0x1d: {  	s14 =	simm.s32 $0x580;
	s1 =	sadd.s32 s4, s1;
	p1 =	sne.s32 s0, $0x1  }
.Ltmp0:
0x1e: {  	s12 =	simm.s32 $0x600;
	s4 =	sadd.s32 $0x400, s1;
	(pc) =	sbr.rel @!p1 .LBB2_1-.Ltmp0, $4  }
0x1f: {  	s13 =	simm.s32 $0xD80;
	s5 =	sadd.s32 $0x2400, s1;
	[dreg:$0x6] =	wrdreg s4  }
0x20: {  	s11 =	simm.s32 $0xE00;
	s1 =	sadd.s32 $0x4400, s1;
	[dreg:$0x7] =	wrdreg s5  }
0x21: {  	s15 =	simm.s32 $0xD00;
	[dreg:$0x8] =	wrdreg s1;
	s5 =	simm.s32 $0x80  }
0x22: {  	s1 =	sadd.s32 $0xFFFFFFFF, s0;
	s4 =	simm.s32 $0x3;
	s0 =	rddreg [dreg:$0x6]  }
0x23: {  	[tilespmem:s21], [sflag:$0x4] =	stream.linear.gather [hbm4b:s0+s21], $0x680, $0x38;
	[tilespmem:$0xD800] =	vst v63  }
0x24: {  	_ =	swait.ge [sflag:s30], $0x680  }
0x25: {  	[sflag:s30] =	ssyncset.done $0x0  }
0x26: {  	s10 =	rddreg [dreg:$0x7];
	[sflag:s30] =	ssyncadd.s32 $0xFFFFF980  }
0x27: {  	[tilespmem:s28], [sflag:$0x4] =	stream.linear.gather [hbm4b:s10+s21], $0x680, $0x38;
	[tilespmem:$0xD800] =	vst v63  }
0x28: {  	_ =	swait.ge [sflag:s30], $0x680  }
0x29: {  	[sflag:s30] =	ssyncset.done $0x0  }
0x2a: {  	s10 =	rddreg [dreg:$0x8];
	[sflag:s30] =	ssyncadd.s32 $0xFFFFF980  }
0x2b: {  	[tilespmem:s31], [sflag:$0x4] =	stream.linear.gather [hbm4b:s10+s21], $0x600, $0x38;
	[tilespmem:$0xD800] =	vst v63  }
0x2c: {  	_ =	swait.ge [sflag:s30], $0x600  }
0x2d: {  	[sflag:s30] =	ssyncset.done $0x0  }
0x2e: {  	s10 =	rddreg [dreg:$0x5];
	[sflag:s30] =	ssyncadd.s32 $0xFFFFFA00  }
0x2f: {  	[tilespmem:s29], [sflag:$0x4] =	stream.linear.gather [hbm4b:s10+s21], $0x4000, $0x38;
	[tilespmem:$0xD800] =	vst v63  }
0x30: {  	_ =	swait.ge [sflag:s30], $0x4000  }
0x31: {  	[sflag:s30] =	ssyncset.done $0x0  }
0x32: {  	[sflag:s30] =	ssyncadd.s32 $0xFFFFC000  }
0x33: {  	[hbm4b:s3+s5] =	stream.indirect.scatter [tilespmem:s29], [sflag:$0x3], $0x80, s31, s5, $0xb8;
	[tilespmem:$0xD800] =	vst v63  }
0x34: {  	s0 =	rddreg [dreg:$0x9]  }
0x35: {  	[hbm4b:s3+s5] =	stream.indirect.scatter [tilespmem:s29], [sflag:$0x3], $0x80, s0, s5, $0xb8;
	[tilespmem:$0xD800] =	vst v63  }
0x36: {  	s10 =	smov.u32 s1;
	s1 =	rddreg [dreg:$0xa]  }
0x37: {  	[hbm4b:s3+s5] =	stream.indirect.scatter [tilespmem:s29], [sflag:$0x3], $0x80, s1, s5, $0xb8;
	[tilespmem:$0xD800] =	vst v63  }
0x38: {  	s0 =	rddreg [dreg:$0xb]  }
0x39: {  	[hbm4b:s3+s5] =	stream.indirect.scatter [tilespmem:s29], [sflag:$0x3], $0x80, s0, s5, $0xb8;
	[tilespmem:$0xD800] =	vst v63  }
0x3a: {  	s1 =	rddreg [dreg:$0xc]  }
0x3b: {  	[hbm4b:s3+s5] =	stream.indirect.scatter [tilespmem:s29], [sflag:$0x3], $0x80, s1, s5, $0xb8;
	[tilespmem:$0xD800] =	vst v63  }
0x3c: {  	s0 =	rddreg [dreg:$0xd]  }
0x3d: {  	[hbm4b:s3+s5] =	stream.indirect.scatter [tilespmem:s29], [sflag:$0x3], $0x80, s0, s5, $0xb8;
	[tilespmem:$0xD800] =	vst v63  }
0x3e: {  	s1 =	rddreg [dreg:$0xe]  }
0x3f: {  	[hbm4b:s3+s5] =	stream.indirect.scatter [tilespmem:s29], [sflag:$0x3], $0x80, s1, s5, $0xb8;
	[tilespmem:$0xD800] =	vst v63  }
0x40: {  	s0 =	rddreg [dreg:$0xf]  }
0x41: {  	[hbm4b:s3+s5] =	stream.indirect.scatter [tilespmem:s29], [sflag:$0x3], $0x80, s0, s5, $0xb8;
	[tilespmem:$0xD800] =	vst v63  }
0x42: {  	s1 =	rddreg [dreg:$0x10]  }
0x43: {  	[hbm4b:s3+s5] =	stream.indirect.scatter [tilespmem:s29], [sflag:$0x3], $0x80, s1, s5, $0xb8;
	[tilespmem:$0xD800] =	vst v63  }
0x44: {  	s0 =	rddreg [dreg:$0x11]  }
0x45: {  	[hbm4b:s3+s5] =	stream.indirect.scatter [tilespmem:s29], [sflag:$0x3], $0x80, s0, s5, $0xb8;
	[tilespmem:$0xD800] =	vst v63  }
0x46: {  	s1 =	rddreg [dreg:$0x12]  }
0x47: {  	[hbm4b:s3+s5] =	stream.indirect.scatter [tilespmem:s29], [sflag:$0x3], $0x80, s1, s5, $0xb8;
	[tilespmem:$0xD800] =	vst v63  }
0x48: {  	s0 =	rddreg [dreg:$0x13]  }
0x49: {  	[hbm4b:s3+s5] =	stream.indirect.scatter [tilespmem:s29], [sflag:$0x3], $0x80, s0, s5, $0xb8;
	[tilespmem:$0xD800] =	vst v63  }
0x4a: {  	_ = 	snop  }
0x4b: {  	[tilespmem:s6], [sflag:$0x1] =	stream.indirect.gather [hbm4b:s2+s5], $0x80, s21, s5, $0xb8;
	[tilespmem:$0xD800] =	vst v63  }
0x4c: {  	_ =	swait.ge [sflag:s8], $0x4000  }
0x4d: {  	[sflag:s8] =	ssyncset.done $0x0  }
0x4e: {  	[sflag:s8] =	ssyncadd.s32 $0xFFFFC000  }
0x4f: {  	[tilespmem:s9], [sflag:$0x1] =	stream.indirect.gather [hbm4b:s2+s5], $0x80, s5, s5, $0xb8;
	[tilespmem:$0xD800] =	vst v63  }
0x50: {  	_ = 	snop  }
0x51: {  	[hbm4b:s3+s5] =	stream.indirect.scatter [tilespmem:s6], [sflag:$0x2], $0x80, s28, s5, $0xb8;
	[tilespmem:$0xD800] =	vst v63  }
0x52: {  	_ =	swait.ge [sflag:s8], $0x4000  }
0x53: {  	[sflag:s8] =	ssyncset.done $0x0  }
0x54: {  	[sflag:s8] =	ssyncadd.s32 $0xFFFFC000  }
0x55: {  	_ =	swait.ge [sflag:s7], $0x4000  }
0x56: {  	[sflag:s7] =	ssyncset.done $0x0  }
0x57: {  	s0 =	rddreg [dreg:$0x14];
	[sflag:s7] =	ssyncadd.s32 $0xFFFFC000  }
0x58: {  	[tilespmem:s6], [sflag:$0x1] =	stream.indirect.gather [hbm4b:s2+s5], $0x80, s0, s5, $0xb8;
	[tilespmem:$0xD800] =	vst v63  }
0x59: {  	s1 =	rddreg [dreg:$0x15]  }
0x5a: {  	[hbm4b:s3+s5] =	stream.indirect.scatter [tilespmem:s9], [sflag:$0x2], $0x80, s1, s5, $0xb8;
	[tilespmem:$0xD800] =	vst v63  }
0x5b: {  	_ =	swait.ge [sflag:s8], $0x4000  }
0x5c: {  	[sflag:s8] =	ssyncset.done $0x0  }
0x5d: {  	[sflag:s8] =	ssyncadd.s32 $0xFFFFC000  }
0x5e: {  	_ =	swait.ge [sflag:s7], $0x4000  }
0x5f: {  	[sflag:s7] =	ssyncset.done $0x0  }
0x60: {  	s0 =	rddreg [dreg:$0x16];
	[sflag:s7] =	ssyncadd.s32 $0xFFFFC000  }
0x61: {  	[tilespmem:s9], [sflag:$0x1] =	stream.indirect.gather [hbm4b:s2+s5], $0x80, s0, s5, $0xb8;
	[tilespmem:$0xD800] =	vst v63  }
0x62: {  	s1 =	rddreg [dreg:$0x17]  }
0x63: {  	[hbm4b:s3+s5] =	stream.indirect.scatter [tilespmem:s6], [sflag:$0x2], $0x80, s1, s5, $0xb8;
	[tilespmem:$0xD800] =	vst v63  }
0x64: {  	_ =	swait.ge [sflag:s8], $0x4000  }
0x65: {  	[sflag:s8] =	ssyncset.done $0x0  }
0x66: {  	[sflag:s8] =	ssyncadd.s32 $0xFFFFC000  }
0x67: {  	_ =	swait.ge [sflag:s7], $0x4000  }
0x68: {  	[sflag:s7] =	ssyncset.done $0x0  }
0x69: {  	s0 =	rddreg [dreg:$0x18];
	[sflag:s7] =	ssyncadd.s32 $0xFFFFC000  }
0x6a: {  	[tilespmem:s6], [sflag:$0x1] =	stream.indirect.gather [hbm4b:s2+s5], $0x80, s0, s5, $0xb8;
	[tilespmem:$0xD800] =	vst v63  }
0x6b: {  	s1 =	rddreg [dreg:$0x19]  }
0x6c: {  	[hbm4b:s3+s5] =	stream.indirect.scatter [tilespmem:s9], [sflag:$0x2], $0x80, s1, s5, $0xb8;
	[tilespmem:$0xD800] =	vst v63  }
0x6d: {  	_ =	swait.ge [sflag:s8], $0x4000  }
0x6e: {  	[sflag:s8] =	ssyncset.done $0x0  }
0x6f: {  	[sflag:s8] =	ssyncadd.s32 $0xFFFFC000  }
0x70: {  	_ =	swait.ge [sflag:s7], $0x4000  }
0x71: {  	[sflag:s7] =	ssyncset.done $0x0  }
0x72: {  	s1 =	rddreg [dreg:$0x1a];
	[sflag:s7] =	ssyncadd.s32 $0xFFFFC000  }
0x73: {  	[tilespmem:s9], [sflag:$0x1] =	stream.indirect.gather [hbm4b:s2+s5], $0x80, s1, s5, $0xb8;
	[tilespmem:$0xD800] =	vst v63  }
0x74: {  	_ = 	snop  }
0x75: {  	[hbm4b:s3+s5] =	stream.indirect.scatter [tilespmem:s6], [sflag:$0x2], $0x80, s16, s5, $0xb8;
	[tilespmem:$0xD800] =	vst v63  }
0x76: {  	_ =	swait.ge [sflag:s8], $0x4000  }
0x77: {  	[sflag:s8] =	ssyncset.done $0x0  }
0x78: {  	[sflag:s8] =	ssyncadd.s32 $0xFFFFC000  }
0x79: {  	_ =	swait.ge [sflag:s7], $0x4000  }
0x7a: {  	[sflag:s7] =	ssyncset.done $0x0  }
0x7b: {  	[sflag:s7] =	ssyncadd.s32 $0xFFFFC000  }
0x7c: {  	[tilespmem:s6], [sflag:$0x1] =	stream.indirect.gather [hbm4b:s2+s5], $0x80, s25, s5, $0xb8;
	[tilespmem:$0xD800] =	vst v63  }
0x7d: {  	_ = 	snop  }
0x7e: {  	[hbm4b:s3+s5] =	stream.indirect.scatter [tilespmem:s9], [sflag:$0x2], $0x80, s26, s5, $0xb8;
	[tilespmem:$0xD800] =	vst v63  }
0x7f: {  	_ =	swait.ge [sflag:s8], $0x4000  }
0x80: {  	[sflag:s8] =	ssyncset.done $0x0  }
0x81: {  	[sflag:s8] =	ssyncadd.s32 $0xFFFFC000  }
0x82: {  	_ =	swait.ge [sflag:s7], $0x4000  }
0x83: {  	[sflag:s7] =	ssyncset.done $0x0  }
0x84: {  	[sflag:s7] =	ssyncadd.s32 $0xFFFFC000  }
0x85: {  	[tilespmem:s9], [sflag:$0x1] =	stream.indirect.gather [hbm4b:s2+s5], $0x80, s23, s5, $0xb8;
	[tilespmem:$0xD800] =	vst v63  }
0x86: {  	_ = 	snop  }
0x87: {  	[hbm4b:s3+s5] =	stream.indirect.scatter [tilespmem:s6], [sflag:$0x2], $0x80, s24, s5, $0xb8;
	[tilespmem:$0xD800] =	vst v63  }
0x88: {  	_ =	swait.ge [sflag:s8], $0x4000  }
0x89: {  	[sflag:s8] =	ssyncset.done $0x0  }
0x8a: {  	[sflag:s8] =	ssyncadd.s32 $0xFFFFC000  }
0x8b: {  	_ =	swait.ge [sflag:s7], $0x4000  }
0x8c: {  	[sflag:s7] =	ssyncset.done $0x0  }
0x8d: {  	[sflag:s7] =	ssyncadd.s32 $0xFFFFC000  }
0x8e: {  	[tilespmem:s6], [sflag:$0x1] =	stream.indirect.gather [hbm4b:s2+s5], $0x80, s20, s5, $0xb8;
	[tilespmem:$0xD800] =	vst v63  }
0x8f: {  	_ = 	snop  }
0x90: {  	[hbm4b:s3+s5] =	stream.indirect.scatter [tilespmem:s9], [sflag:$0x2], $0x80, s22, s5, $0xb8;
	[tilespmem:$0xD800] =	vst v63  }
0x91: {  	_ =	swait.ge [sflag:s8], $0x4000  }
0x92: {  	[sflag:s8] =	ssyncset.done $0x0  }
0x93: {  	[sflag:s8] =	ssyncadd.s32 $0xFFFFC000  }
0x94: {  	_ =	swait.ge [sflag:s7], $0x4000  }
0x95: {  	[sflag:s7] =	ssyncset.done $0x0  }
0x96: {  	[sflag:s7] =	ssyncadd.s32 $0xFFFFC000  }
0x97: {  	[tilespmem:s9], [sflag:$0x1] =	stream.indirect.gather [hbm4b:s2+s5], $0x80, s18, s5, $0xb8;
	[tilespmem:$0xD800] =	vst v63  }
0x98: {  	_ = 	snop  }
0x99: {  	[hbm4b:s3+s5] =	stream.indirect.scatter [tilespmem:s6], [sflag:$0x2], $0x80, s19, s5, $0xb8;
	[tilespmem:$0xD800] =	vst v63  }
0x9a: {  	_ =	swait.ge [sflag:s8], $0x4000  }
0x9b: {  	[sflag:s8] =	ssyncset.done $0x0  }
0x9c: {  	[sflag:s8] =	ssyncadd.s32 $0xFFFFC000  }
0x9d: {  	_ =	swait.ge [sflag:s7], $0x4000  }
0x9e: {  	[sflag:s7] =	ssyncset.done $0x0  }
0x9f: {  	s1 =	simm.s32 $0x500;
	[sflag:s7] =	ssyncadd.s32 $0xFFFFC000  }
0xa0: {  	[tilespmem:s6], [sflag:$0x1] =	stream.indirect.gather [hbm4b:s2+s5], $0x80, s1, s5, $0xb8;
	[tilespmem:$0xD800] =	vst v63  }
0xa1: {  	_ = 	snop  }
0xa2: {  	[hbm4b:s3+s5] =	stream.indirect.scatter [tilespmem:s9], [sflag:$0x2], $0x80, s17, s5, $0xb8;
	[tilespmem:$0xD800] =	vst v63  }
0xa3: {  	_ =	swait.ge [sflag:s8], $0x4000  }
0xa4: {  	[sflag:s8] =	ssyncset.done $0x0  }
0xa5: {  	[sflag:s8] =	ssyncadd.s32 $0xFFFFC000  }
0xa6: {  	_ =	swait.ge [sflag:s7], $0x4000  }
0xa7: {  	[sflag:s7] =	ssyncset.done $0x0  }
0xa8: {  	[sflag:s7] =	ssyncadd.s32 $0xFFFFC000  }
0xa9: {  	[tilespmem:s9], [sflag:$0x1] =	stream.indirect.gather [hbm4b:s2+s5], $0x80, s14, s5, $0xb8;
	[tilespmem:$0xD800] =	vst v63  }
0xaa: {  	_ = 	snop  }
0xab: {  	[hbm4b:s3+s5] =	stream.indirect.scatter [tilespmem:s6], [sflag:$0x2], $0x80, s15, s5, $0xb8;
	[tilespmem:$0xD800] =	vst v63  }
0xac: {  	_ =	swait.ge [sflag:s8], $0x4000  }
0xad: {  	[sflag:s8] =	ssyncset.done $0x0  }
0xae: {  	[sflag:s8] =	ssyncadd.s32 $0xFFFFC000  }
0xaf: {  	_ =	swait.ge [sflag:s7], $0x4000  }
0xb0: {  	[sflag:s7] =	ssyncset.done $0x0  }
0xb1: {  	[sflag:s7] =	ssyncadd.s32 $0xFFFFC000  }
0xb2: {  	[tilespmem:s6], [sflag:$0x1] =	stream.indirect.gather [hbm4b:s2+s5], $0x80, s12, s5, $0xb8;
	[tilespmem:$0xD800] =	vst v63  }
0xb3: {  	_ = 	snop  }
0xb4: {  	[hbm4b:s3+s5] =	stream.indirect.scatter [tilespmem:s9], [sflag:$0x2], $0x80, s13, s5, $0xb8;
	[tilespmem:$0xD800] =	vst v63  }
0xb5: {  	_ =	swait.ge [sflag:s8], $0x4000  }
0xb6: {  	[sflag:s8] =	ssyncset.done $0x0  }
0xb7: {  	[sflag:s8] =	ssyncadd.s32 $0xFFFFC000  }
0xb8: {  	[hbm4b:s3+s5] =	stream.indirect.scatter [tilespmem:s6], [sflag:$0x2], $0x80, s11, s5, $0xb8;
	[tilespmem:$0xD800] =	vst v63  }
0xb9: {  	_ =	swait.ge [sflag:s7], $0x4000  }
0xba: {  	[sflag:s7] =	ssyncset.done $0x0  }
0xbb: {  	[sflag:s7] =	ssyncadd.s32 $0xFFFFC000  }
0xbc: {  	_ =	swait.ge [sflag:s7], $0x4000  }
0xbd: {  	[sflag:s7] =	ssyncset.done $0x0  }
0xbe: {  	[sflag:s7] =	ssyncadd.s32 $0xFFFFC000  }
0xbf: {  	_ =	swait.ge [sflag:s4], $0x4000  }
0xc0: {  	[sflag:s4] =	ssyncset.done $0x0  }
0xc1: {  	[sflag:s4] =	ssyncadd.s32 $0xFFFFC000  }
0xc2: {  	_ =	swait.ge [sflag:s4], $0x4000  }
0xc3: {  	[sflag:s4] =	ssyncset.done $0x0  }
0xc4: {  	[sflag:s4] =	ssyncadd.s32 $0xFFFFC000  }
0xc5: {  	_ =	swait.ge [sflag:s4], $0x4000  }
0xc6: {  	[sflag:s4] =	ssyncset.done $0x0  }
0xc7: {  	[sflag:s4] =	ssyncadd.s32 $0xFFFFC000  }
0xc8: {  	_ =	swait.ge [sflag:s4], $0x4000  }
0xc9: {  	[sflag:s4] =	ssyncset.done $0x0  }
0xca: {  	[sflag:s4] =	ssyncadd.s32 $0xFFFFC000  }
0xcb: {  	_ =	swait.ge [sflag:s4], $0x4000  }
0xcc: {  	[sflag:s4] =	ssyncset.done $0x0  }
0xcd: {  	[sflag:s4] =	ssyncadd.s32 $0xFFFFC000  }
0xce: {  	_ =	swait.ge [sflag:s4], $0x4000  }
0xcf: {  	[sflag:s4] =	ssyncset.done $0x0  }
0xd0: {  	[sflag:s4] =	ssyncadd.s32 $0xFFFFC000  }
0xd1: {  	_ =	swait.ge [sflag:s4], $0x4000  }
0xd2: {  	[sflag:s4] =	ssyncset.done $0x0  }
0xd3: {  	[sflag:s4] =	ssyncadd.s32 $0xFFFFC000  }
0xd4: {  	_ =	swait.ge [sflag:s4], $0x4000  }
0xd5: {  	[sflag:s4] =	ssyncset.done $0x0  }
0xd6: {  	[sflag:s4] =	ssyncadd.s32 $0xFFFFC000  }
0xd7: {  	_ =	swait.ge [sflag:s4], $0x4000  }
0xd8: {  	[sflag:s4] =	ssyncset.done $0x0  }
0xd9: {  	[sflag:s4] =	ssyncadd.s32 $0xFFFFC000  }
0xda: {  	_ =	swait.ge [sflag:s4], $0x4000  }
0xdb: {  	[sflag:s4] =	ssyncset.done $0x0  }
0xdc: {  	p1 =	sne.s32 s10, $0x1;
	[sflag:s4] =	ssyncadd.s32 $0xFFFFC000  }
.Ltmp1:
0xdd: {  	_ =	swait.ge [sflag:s4], $0x4000;
	(pc) =	sbr.rel @!p1 .LBB2_3-.Ltmp1, $4  }
0xde: {  	[sflag:s4] =	ssyncset.done $0x0  }
0xdf: {  	[sflag:s4] =	ssyncadd.s32 $0xFFFFC000  }
0xe0: {  	p0 =	por $0x1, $0x1;
	_ =	swait.ge [sflag:s4], $0x4000  }
0xe1: {  	s1 =	sadd.s32 $0xFFFFFFFF, s10;
	s0 =	rddreg [dreg:$0x6];
	[sflag:s4] =	ssyncset.done $0x0  }
.LBB2_4:
0xe2: {  	[sflag:s4] =	ssyncadd.s32 $0xFFFFC000  }
0xe3: {  	[tilespmem:s21], [sflag:$0x4] =	stream.linear.gather [hbm4b:s0+s21], $0x680, $0x38;
	[tilespmem:$0xD800] =	vst v63  }
0xe4: {  	_ =	swait.ge [sflag:s30], $0x680  }
0xe5: {  	[sflag:s30] =	ssyncset.done $0x0  }
0xe6: {  	s10 =	rddreg [dreg:$0x7];
	[sflag:s30] =	ssyncadd.s32 $0xFFFFF980  }
0xe7: {  	[tilespmem:s28], [sflag:$0x4] =	stream.linear.gather [hbm4b:s10+s21], $0x680, $0x38;
	[tilespmem:$0xD800] =	vst v63  }
0xe8: {  	_ =	swait.ge [sflag:s30], $0x680  }
0xe9: {  	[sflag:s30] =	ssyncset.done $0x0  }
0xea: {  	s10 =	rddreg [dreg:$0x8];
	[sflag:s30] =	ssyncadd.s32 $0xFFFFF980  }
0xeb: {  	[tilespmem:s31], [sflag:$0x4] =	stream.linear.gather [hbm4b:s10+s21], $0x600, $0x38;
	[tilespmem:$0xD800] =	vst v63  }
0xec: {  	_ =	swait.ge [sflag:s30], $0x600  }
0xed: {  	[sflag:s30] =	ssyncset.done $0x0  }
0xee: {  	s10 =	rddreg [dreg:$0x5];
	[sflag:s30] =	ssyncadd.s32 $0xFFFFFA00  }
0xef: {  	[tilespmem:s29], [sflag:$0x4] =	stream.linear.gather [hbm4b:s10+s21], $0x4000, $0x38;
	[tilespmem:$0xD800] =	vst v63  }
0xf0: {  	_ =	swait.ge [sflag:s30], $0x4000  }
0xf1: {  	[sflag:s30] =	ssyncset.done $0x0  }
0xf2: {  	[sflag:s30] =	ssyncadd.s32 $0xFFFFC000  }
0xf3: {  	[hbm4b:s3+s5] =	stream.indirect.scatter [tilespmem:s29], [sflag:$0x3], $0x80, s31, s5, $0xb8;
	[tilespmem:$0xD800] =	vst v63  }
0xf4: {  	s0 =	rddreg [dreg:$0x9]  }
0xf5: {  	[hbm4b:s3+s5] =	stream.indirect.scatter [tilespmem:s29], [sflag:$0x3], $0x80, s0, s5, $0xb8;
	[tilespmem:$0xD800] =	vst v63  }
0xf6: {  	s10 =	rddreg [dreg:$0xa]  }
0xf7: {  	[hbm4b:s3+s5] =	stream.indirect.scatter [tilespmem:s29], [sflag:$0x3], $0x80, s10, s5, $0xb8;
	[tilespmem:$0xD800] =	vst v63  }
0xf8: {  	s0 =	rddreg [dreg:$0xb]  }
0xf9: {  	[hbm4b:s3+s5] =	stream.indirect.scatter [tilespmem:s29], [sflag:$0x3], $0x80, s0, s5, $0xb8;
	[tilespmem:$0xD800] =	vst v63  }
0xfa: {  	s10 =	rddreg [dreg:$0xc]  }
0xfb: {  	[hbm4b:s3+s5] =	stream.indirect.scatter [tilespmem:s29], [sflag:$0x3], $0x80, s10, s5, $0xb8;
	[tilespmem:$0xD800] =	vst v63  }
0xfc: {  	s0 =	rddreg [dreg:$0xd]  }
0xfd: {  	[hbm4b:s3+s5] =	stream.indirect.scatter [tilespmem:s29], [sflag:$0x3], $0x80, s0, s5, $0xb8;
	[tilespmem:$0xD800] =	vst v63  }
0xfe: {  	s10 =	rddreg [dreg:$0xe]  }
0xff: {  	[hbm4b:s3+s5] =	stream.indirect.scatter [tilespmem:s29], [sflag:$0x3], $0x80, s10, s5, $0xb8;
	[tilespmem:$0xD800] =	vst v63  }
0x100: {  	s0 =	rddreg [dreg:$0xf]  }
0x101: {  	[hbm4b:s3+s5] =	stream.indirect.scatter [tilespmem:s29], [sflag:$0x3], $0x80, s0, s5, $0xb8;
	[tilespmem:$0xD800] =	vst v63  }
0x102: {  	s10 =	rddreg [dreg:$0x10]  }
0x103: {  	[hbm4b:s3+s5] =	stream.indirect.scatter [tilespmem:s29], [sflag:$0x3], $0x80, s10, s5, $0xb8;
	[tilespmem:$0xD800] =	vst v63  }
0x104: {  	s0 =	rddreg [dreg:$0x11]  }
0x105: {  	[hbm4b:s3+s5] =	stream.indirect.scatter [tilespmem:s29], [sflag:$0x3], $0x80, s0, s5, $0xb8;
	[tilespmem:$0xD800] =	vst v63  }
0x106: {  	s10 =	rddreg [dreg:$0x12]  }
0x107: {  	[hbm4b:s3+s5] =	stream.indirect.scatter [tilespmem:s29], [sflag:$0x3], $0x80, s10, s5, $0xb8;
	[tilespmem:$0xD800] =	vst v63  }
0x108: {  	s0 =	rddreg [dreg:$0x13]  }
0x109: {  	[hbm4b:s3+s5] =	stream.indirect.scatter [tilespmem:s29], [sflag:$0x3], $0x80, s0, s5, $0xb8;
	[tilespmem:$0xD800] =	vst v63  }
0x10a: {  	_ = 	snop  }
0x10b: {  	[tilespmem:s6], [sflag:$0x1] =	stream.indirect.gather [hbm4b:s2+s5], $0x80, s21, s5, $0xb8;
	[tilespmem:$0xD800] =	vst v63  }
0x10c: {  	_ =	swait.ge [sflag:s8], $0x4000  }
0x10d: {  	[sflag:s8] =	ssyncset.done $0x0  }
0x10e: {  	[sflag:s8] =	ssyncadd.s32 $0xFFFFC000  }
0x10f: {  	[tilespmem:s9], [sflag:$0x1] =	stream.indirect.gather [hbm4b:s2+s5], $0x80, s5, s5, $0xb8;
	[tilespmem:$0xD800] =	vst v63  }
0x110: {  	_ = 	snop  }
0x111: {  	[hbm4b:s3+s5] =	stream.indirect.scatter [tilespmem:s6], [sflag:$0x2], $0x80, s28, s5, $0xb8;
	[tilespmem:$0xD800] =	vst v63  }
0x112: {  	_ =	swait.ge [sflag:s8], $0x4000  }
0x113: {  	[sflag:s8] =	ssyncset.done $0x0  }
0x114: {  	[sflag:s8] =	ssyncadd.s32 $0xFFFFC000  }
0x115: {  	_ =	swait.ge [sflag:s7], $0x4000  }
0x116: {  	[sflag:s7] =	ssyncset.done $0x0  }
0x117: {  	s0 =	rddreg [dreg:$0x14];
	[sflag:s7] =	ssyncadd.s32 $0xFFFFC000  }
0x118: {  	[tilespmem:s6], [sflag:$0x1] =	stream.indirect.gather [hbm4b:s2+s5], $0x80, s0, s5, $0xb8;
	[tilespmem:$0xD800] =	vst v63  }
0x119: {  	s10 =	rddreg [dreg:$0x15]  }
0x11a: {  	[hbm4b:s3+s5] =	stream.indirect.scatter [tilespmem:s9], [sflag:$0x2], $0x80, s10, s5, $0xb8;
	[tilespmem:$0xD800] =	vst v63  }
0x11b: {  	_ =	swait.ge [sflag:s8], $0x4000  }
0x11c: {  	[sflag:s8] =	ssyncset.done $0x0  }
0x11d: {  	[sflag:s8] =	ssyncadd.s32 $0xFFFFC000  }
0x11e: {  	_ =	swait.ge [sflag:s7], $0x4000  }
0x11f: {  	[sflag:s7] =	ssyncset.done $0x0  }
0x120: {  	s0 =	rddreg [dreg:$0x16];
	[sflag:s7] =	ssyncadd.s32 $0xFFFFC000  }
0x121: {  	[tilespmem:s9], [sflag:$0x1] =	stream.indirect.gather [hbm4b:s2+s5], $0x80, s0, s5, $0xb8;
	[tilespmem:$0xD800] =	vst v63  }
0x122: {  	s10 =	rddreg [dreg:$0x17]  }
0x123: {  	[hbm4b:s3+s5] =	stream.indirect.scatter [tilespmem:s6], [sflag:$0x2], $0x80, s10, s5, $0xb8;
	[tilespmem:$0xD800] =	vst v63  }
0x124: {  	_ =	swait.ge [sflag:s8], $0x4000  }
0x125: {  	[sflag:s8] =	ssyncset.done $0x0  }
0x126: {  	[sflag:s8] =	ssyncadd.s32 $0xFFFFC000  }
0x127: {  	_ =	swait.ge [sflag:s7], $0x4000  }
0x128: {  	[sflag:s7] =	ssyncset.done $0x0  }
0x129: {  	s0 =	rddreg [dreg:$0x18];
	[sflag:s7] =	ssyncadd.s32 $0xFFFFC000  }
0x12a: {  	[tilespmem:s6], [sflag:$0x1] =	stream.indirect.gather [hbm4b:s2+s5], $0x80, s0, s5, $0xb8;
	[tilespmem:$0xD800] =	vst v63  }
0x12b: {  	s10 =	rddreg [dreg:$0x19]  }
0x12c: {  	[hbm4b:s3+s5] =	stream.indirect.scatter [tilespmem:s9], [sflag:$0x2], $0x80, s10, s5, $0xb8;
	[tilespmem:$0xD800] =	vst v63  }
0x12d: {  	_ =	swait.ge [sflag:s8], $0x4000  }
0x12e: {  	[sflag:s8] =	ssyncset.done $0x0  }
0x12f: {  	[sflag:s8] =	ssyncadd.s32 $0xFFFFC000  }
0x130: {  	_ =	swait.ge [sflag:s7], $0x4000  }
0x131: {  	[sflag:s7] =	ssyncset.done $0x0  }
0x132: {  	s10 =	rddreg [dreg:$0x1a];
	[sflag:s7] =	ssyncadd.s32 $0xFFFFC000  }
0x133: {  	[tilespmem:s9], [sflag:$0x1] =	stream.indirect.gather [hbm4b:s2+s5], $0x80, s10, s5, $0xb8;
	[tilespmem:$0xD800] =	vst v63  }
0x134: {  	_ = 	snop  }
0x135: {  	[hbm4b:s3+s5] =	stream.indirect.scatter [tilespmem:s6], [sflag:$0x2], $0x80, s16, s5, $0xb8;
	[tilespmem:$0xD800] =	vst v63  }
0x136: {  	_ =	swait.ge [sflag:s8], $0x4000  }
0x137: {  	[sflag:s8] =	ssyncset.done $0x0  }
0x138: {  	[sflag:s8] =	ssyncadd.s32 $0xFFFFC000  }
0x139: {  	_ =	swait.ge [sflag:s7], $0x4000  }
0x13a: {  	[sflag:s7] =	ssyncset.done $0x0  }
0x13b: {  	[sflag:s7] =	ssyncadd.s32 $0xFFFFC000  }
0x13c: {  	[tilespmem:s6], [sflag:$0x1] =	stream.indirect.gather [hbm4b:s2+s5], $0x80, s25, s5, $0xb8;
	[tilespmem:$0xD800] =	vst v63  }
0x13d: {  	_ = 	snop  }
0x13e: {  	[hbm4b:s3+s5] =	stream.indirect.scatter [tilespmem:s9], [sflag:$0x2], $0x80, s26, s5, $0xb8;
	[tilespmem:$0xD800] =	vst v63  }
0x13f: {  	_ =	swait.ge [sflag:s8], $0x4000  }
0x140: {  	[sflag:s8] =	ssyncset.done $0x0  }
0x141: {  	[sflag:s8] =	ssyncadd.s32 $0xFFFFC000  }
0x142: {  	_ =	swait.ge [sflag:s7], $0x4000  }
0x143: {  	[sflag:s7] =	ssyncset.done $0x0  }
0x144: {  	[sflag:s7] =	ssyncadd.s32 $0xFFFFC000  }
0x145: {  	[tilespmem:s9], [sflag:$0x1] =	stream.indirect.gather [hbm4b:s2+s5], $0x80, s23, s5, $0xb8;
	[tilespmem:$0xD800] =	vst v63  }
0x146: {  	_ = 	snop  }
0x147: {  	[hbm4b:s3+s5] =	stream.indirect.scatter [tilespmem:s6], [sflag:$0x2], $0x80, s24, s5, $0xb8;
	[tilespmem:$0xD800] =	vst v63  }
0x148: {  	_ =	swait.ge [sflag:s8], $0x4000  }
0x149: {  	[sflag:s8] =	ssyncset.done $0x0  }
0x14a: {  	[sflag:s8] =	ssyncadd.s32 $0xFFFFC000  }
0x14b: {  	_ =	swait.ge [sflag:s7], $0x4000  }
0x14c: {  	[sflag:s7] =	ssyncset.done $0x0  }
0x14d: {  	[sflag:s7] =	ssyncadd.s32 $0xFFFFC000  }
0x14e: {  	[tilespmem:s6], [sflag:$0x1] =	stream.indirect.gather [hbm4b:s2+s5], $0x80, s20, s5, $0xb8;
	[tilespmem:$0xD800] =	vst v63  }
0x14f: {  	_ = 	snop  }
0x150: {  	[hbm4b:s3+s5] =	stream.indirect.scatter [tilespmem:s9], [sflag:$0x2], $0x80, s22, s5, $0xb8;
	[tilespmem:$0xD800] =	vst v63  }
0x151: {  	_ =	swait.ge [sflag:s8], $0x4000  }
0x152: {  	[sflag:s8] =	ssyncset.done $0x0  }
0x153: {  	[sflag:s8] =	ssyncadd.s32 $0xFFFFC000  }
0x154: {  	_ =	swait.ge [sflag:s7], $0x4000  }
0x155: {  	[sflag:s7] =	ssyncset.done $0x0  }
0x156: {  	[sflag:s7] =	ssyncadd.s32 $0xFFFFC000  }
0x157: {  	[tilespmem:s9], [sflag:$0x1] =	stream.indirect.gather [hbm4b:s2+s5], $0x80, s18, s5, $0xb8;
	[tilespmem:$0xD800] =	vst v63  }
0x158: {  	_ = 	snop  }
0x159: {  	[hbm4b:s3+s5] =	stream.indirect.scatter [tilespmem:s6], [sflag:$0x2], $0x80, s19, s5, $0xb8;
	[tilespmem:$0xD800] =	vst v63  }
0x15a: {  	_ =	swait.ge [sflag:s8], $0x4000  }
0x15b: {  	[sflag:s8] =	ssyncset.done $0x0  }
0x15c: {  	[sflag:s8] =	ssyncadd.s32 $0xFFFFC000  }
0x15d: {  	_ =	swait.ge [sflag:s7], $0x4000  }
0x15e: {  	[sflag:s7] =	ssyncset.done $0x0  }
0x15f: {  	s10 =	simm.s32 $0x500;
	[sflag:s7] =	ssyncadd.s32 $0xFFFFC000  }
0x160: {  	[tilespmem:s6], [sflag:$0x1] =	stream.indirect.gather [hbm4b:s2+s5], $0x80, s10, s5, $0xb8;
	[tilespmem:$0xD800] =	vst v63  }
0x161: {  	_ = 	snop  }
0x162: {  	[hbm4b:s3+s5] =	stream.indirect.scatter [tilespmem:s9], [sflag:$0x2], $0x80, s17, s5, $0xb8;
	[tilespmem:$0xD800] =	vst v63  }
0x163: {  	_ =	swait.ge [sflag:s8], $0x4000  }
0x164: {  	[sflag:s8] =	ssyncset.done $0x0  }
0x165: {  	[sflag:s8] =	ssyncadd.s32 $0xFFFFC000  }
0x166: {  	_ =	swait.ge [sflag:s7], $0x4000  }
0x167: {  	[sflag:s7] =	ssyncset.done $0x0  }
0x168: {  	[sflag:s7] =	ssyncadd.s32 $0xFFFFC000  }
0x169: {  	[tilespmem:s9], [sflag:$0x1] =	stream.indirect.gather [hbm4b:s2+s5], $0x80, s14, s5, $0xb8;
	[tilespmem:$0xD800] =	vst v63  }
0x16a: {  	_ = 	snop  }
0x16b: {  	[hbm4b:s3+s5] =	stream.indirect.scatter [tilespmem:s6], [sflag:$0x2], $0x80, s15, s5, $0xb8;
	[tilespmem:$0xD800] =	vst v63  }
0x16c: {  	_ =	swait.ge [sflag:s8], $0x4000  }
0x16d: {  	[sflag:s8] =	ssyncset.done $0x0  }
0x16e: {  	[sflag:s8] =	ssyncadd.s32 $0xFFFFC000  }
0x16f: {  	_ =	swait.ge [sflag:s7], $0x4000  }
0x170: {  	[sflag:s7] =	ssyncset.done $0x0  }
0x171: {  	[sflag:s7] =	ssyncadd.s32 $0xFFFFC000  }
0x172: {  	[tilespmem:s6], [sflag:$0x1] =	stream.indirect.gather [hbm4b:s2+s5], $0x80, s12, s5, $0xb8;
	[tilespmem:$0xD800] =	vst v63  }
0x173: {  	_ = 	snop  }
0x174: {  	[hbm4b:s3+s5] =	stream.indirect.scatter [tilespmem:s9], [sflag:$0x2], $0x80, s13, s5, $0xb8;
	[tilespmem:$0xD800] =	vst v63  }
0x175: {  	_ =	swait.ge [sflag:s8], $0x4000  }
0x176: {  	[sflag:s8] =	ssyncset.done $0x0  }
0x177: {  	[sflag:s8] =	ssyncadd.s32 $0xFFFFC000  }
0x178: {  	[hbm4b:s3+s5] =	stream.indirect.scatter [tilespmem:s6], [sflag:$0x2], $0x80, s11, s5, $0xb8;
	[tilespmem:$0xD800] =	vst v63  }
0x179: {  	_ =	swait.ge [sflag:s7], $0x4000  }
0x17a: {  	[sflag:s7] =	ssyncset.done $0x0  }
0x17b: {  	[sflag:s7] =	ssyncadd.s32 $0xFFFFC000  }
0x17c: {  	_ =	swait.ge [sflag:s7], $0x4000  }
0x17d: {  	[sflag:s7] =	ssyncset.done $0x0  }
0x17e: {  	[sflag:s7] =	ssyncadd.s32 $0xFFFFC000  }
0x17f: {  	_ =	swait.ge [sflag:s4], $0x4000  }
0x180: {  	[sflag:s4] =	ssyncset.done $0x0  }
0x181: {  	[sflag:s4] =	ssyncadd.s32 $0xFFFFC000  }
0x182: {  	_ =	swait.ge [sflag:s4], $0x4000  }
0x183: {  	[sflag:s4] =	ssyncset.done $0x0  }
0x184: {  	[sflag:s4] =	ssyncadd.s32 $0xFFFFC000  }
0x185: {  	_ =	swait.ge [sflag:s4], $0x4000  }
0x186: {  	[sflag:s4] =	ssyncset.done $0x0  }
0x187: {  	[sflag:s4] =	ssyncadd.s32 $0xFFFFC000  }
0x188: {  	_ =	swait.ge [sflag:s4], $0x4000  }
0x189: {  	[sflag:s4] =	ssyncset.done $0x0  }
0x18a: {  	[sflag:s4] =	ssyncadd.s32 $0xFFFFC000  }
0x18b: {  	_ =	swait.ge [sflag:s4], $0x4000  }
0x18c: {  	[sflag:s4] =	ssyncset.done $0x0  }
0x18d: {  	[sflag:s4] =	ssyncadd.s32 $0xFFFFC000  }
0x18e: {  	_ =	swait.ge [sflag:s4], $0x4000  }
0x18f: {  	[sflag:s4] =	ssyncset.done $0x0  }
0x190: {  	[sflag:s4] =	ssyncadd.s32 $0xFFFFC000  }
0x191: {  	_ =	swait.ge [sflag:s4], $0x4000  }
0x192: {  	[sflag:s4] =	ssyncset.done $0x0  }
0x193: {  	[sflag:s4] =	ssyncadd.s32 $0xFFFFC000  }
0x194: {  	_ =	swait.ge [sflag:s4], $0x4000  }
0x195: {  	[sflag:s4] =	ssyncset.done $0x0  }
0x196: {  	[sflag:s4] =	ssyncadd.s32 $0xFFFFC000  }
0x197: {  	_ =	swait.ge [sflag:s4], $0x4000  }
0x198: {  	[sflag:s4] =	ssyncset.done $0x0  }
0x199: {  	[sflag:s4] =	ssyncadd.s32 $0xFFFFC000  }
0x19a: {  	_ =	swait.ge [sflag:s4], $0x4000  }
0x19b: {  	[sflag:s4] =	ssyncset.done $0x0  }
0x19c: {  	p1 =	sne.s32 s1, $0x1;
	[sflag:s4] =	ssyncadd.s32 $0xFFFFC000  }
.Ltmp2:
0x19d: {  	_ =	swait.ge [sflag:s4], $0x4000;
	(pc) =	sbr.rel @p1 .LBB2_4-.Ltmp2, $4  }
0x19e: {  	[sflag:s4] =	ssyncset.done $0x0  }
0x19f: {  	[sflag:s4] =	ssyncadd.s32 $0xFFFFC000  }
0x1a0: {  	_ =	swait.ge [sflag:s4], $0x4000  }
0x1a1: {  	s1 =	sadd.s32 $0xFFFFFFFF, s1;
	s0 =	rddreg [dreg:$0x6];
	[sflag:s4] =	ssyncset.done $0x0  }
0x1a2: {  	s11 =	simm.s32 $0xA00  }
0x1a3: {  	s26 =	simm.s32 $0xA80;
	s25 =	simm.s32 $0x300;
	s24 =	simm.s32 $0xB00  }
0x1a4: {  	s23 =	simm.s32 $0x380;
	s22 =	simm.s32 $0xB80;
	s20 =	simm.s32 $0x400  }
0x1a5: {  	s19 =	simm.s32 $0xC00;
	s18 =	simm.s32 $0x480;
	s17 =	simm.s32 $0xC80  }
0x1a6: {  	s16 =	simm.s32 $0x500;
	s15 =	simm.s32 $0xD00;
	s14 =	simm.s32 $0x580  }
0x1a7: {  	s13 =	simm.s32 $0xD80;
	s12 =	simm.s32 $0x600;
	s10 =	stileid.u32  }
.LBB2_6:
0x1a8: {  	[sflag:s4] =	ssyncadd.s32 @p0 $0xFFFFC000  }
0x1a9: {  	[tilespmem:s21], [sflag:$0x4] =	stream.linear.gather [hbm4b:s0+s21], $0x680, $0x38;
	[tilespmem:$0xD800] =	vst v63  }
0x1aa: {  	_ =	swait.ge [sflag:s30], $0x680  }
0x1ab: {  	[sflag:s30] =	ssyncset.done $0x0  }
0x1ac: {  	s1 =	rddreg [dreg:$0x7];
	[sflag:s30] =	ssyncadd.s32 $0xFFFFF980  }
0x1ad: {  	[tilespmem:s28], [sflag:$0x4] =	stream.linear.gather [hbm4b:s1+s21], $0x680, $0x38;
	[tilespmem:$0xD800] =	vst v63  }
0x1ae: {  	_ =	swait.ge [sflag:s30], $0x680  }
0x1af: {  	[sflag:s30] =	ssyncset.done $0x0  }
0x1b0: {  	s1 =	rddreg [dreg:$0x8];
	[sflag:s30] =	ssyncadd.s32 $0xFFFFF980  }
0x1b1: {  	[tilespmem:s31], [sflag:$0x4] =	stream.linear.gather [hbm4b:s1+s21], $0x600, $0x38;
	[tilespmem:$0xD800] =	vst v63  }
0x1b2: {  	_ =	swait.ge [sflag:s30], $0x600  }
0x1b3: {  	[sflag:s30] =	ssyncset.done $0x0  }
0x1b4: {  	s1 =	rddreg [dreg:$0x5];
	[sflag:s30] =	ssyncadd.s32 $0xFFFFFA00  }
0x1b5: {  	[tilespmem:s29], [sflag:$0x4] =	stream.linear.gather [hbm4b:s1+s21], $0x4000, $0x38;
	[tilespmem:$0xD800] =	vst v63  }
0x1b6: {  	_ =	swait.ge [sflag:s30], $0x4000  }
0x1b7: {  	[sflag:s30] =	ssyncset.done $0x0  }
0x1b8: {  	[sflag:s30] =	ssyncadd.s32 $0xFFFFC000  }
0x1b9: {  	[hbm4b:s3+s5] =	stream.indirect.scatter [tilespmem:s29], [sflag:$0x3], $0x80, s31, s5, $0xb8;
	[tilespmem:$0xD800] =	vst v63  }
0x1ba: {  	s30 =	rddreg [dreg:$0x9]  }
0x1bb: {  	[hbm4b:s3+s5] =	stream.indirect.scatter [tilespmem:s29], [sflag:$0x3], $0x80, s30, s5, $0xb8;
	[tilespmem:$0xD800] =	vst v63  }
0x1bc: {  	s1 =	rddreg [dreg:$0xa]  }
0x1bd: {  	[hbm4b:s3+s5] =	stream.indirect.scatter [tilespmem:s29], [sflag:$0x3], $0x80, s1, s5, $0xb8;
	[tilespmem:$0xD800] =	vst v63  }
0x1be: {  	s31 =	rddreg [dreg:$0xb]  }
0x1bf: {  	[hbm4b:s3+s5] =	stream.indirect.scatter [tilespmem:s29], [sflag:$0x3], $0x80, s31, s5, $0xb8;
	[tilespmem:$0xD800] =	vst v63  }
0x1c0: {  	s30 =	rddreg [dreg:$0xc]  }
0x1c1: {  	[hbm4b:s3+s5] =	stream.indirect.scatter [tilespmem:s29], [sflag:$0x3], $0x80, s30, s5, $0xb8;
	[tilespmem:$0xD800] =	vst v63  }
0x1c2: {  	s31 =	rddreg [dreg:$0xd]  }
0x1c3: {  	[hbm4b:s3+s5] =	stream.indirect.scatter [tilespmem:s29], [sflag:$0x3], $0x80, s31, s5, $0xb8;
	[tilespmem:$0xD800] =	vst v63  }
0x1c4: {  	s30 =	rddreg [dreg:$0xe]  }
0x1c5: {  	[hbm4b:s3+s5] =	stream.indirect.scatter [tilespmem:s29], [sflag:$0x3], $0x80, s30, s5, $0xb8;
	[tilespmem:$0xD800] =	vst v63  }
0x1c6: {  	s31 =	rddreg [dreg:$0xf]  }
0x1c7: {  	[hbm4b:s3+s5] =	stream.indirect.scatter [tilespmem:s29], [sflag:$0x3], $0x80, s31, s5, $0xb8;
	[tilespmem:$0xD800] =	vst v63  }
0x1c8: {  	s30 =	rddreg [dreg:$0x10]  }
0x1c9: {  	[hbm4b:s3+s5] =	stream.indirect.scatter [tilespmem:s29], [sflag:$0x3], $0x80, s30, s5, $0xb8;
	[tilespmem:$0xD800] =	vst v63  }
0x1ca: {  	s31 =	rddreg [dreg:$0x11]  }
0x1cb: {  	[hbm4b:s3+s5] =	stream.indirect.scatter [tilespmem:s29], [sflag:$0x3], $0x80, s31, s5, $0xb8;
	[tilespmem:$0xD800] =	vst v63  }
0x1cc: {  	s30 =	rddreg [dreg:$0x12]  }
0x1cd: {  	[hbm4b:s3+s5] =	stream.indirect.scatter [tilespmem:s29], [sflag:$0x3], $0x80, s30, s5, $0xb8;
	[tilespmem:$0xD800] =	vst v63  }
0x1ce: {  	s31 =	rddreg [dreg:$0x13]  }
0x1cf: {  	[hbm4b:s3+s5] =	stream.indirect.scatter [tilespmem:s29], [sflag:$0x3], $0x80, s31, s5, $0xb8;
	[tilespmem:$0xD800] =	vst v63  }
0x1d0: {  	_ = 	snop  }
0x1d1: {  	[tilespmem:s6], [sflag:$0x1] =	stream.indirect.gather [hbm4b:s2+s5], $0x80, s21, s5, $0xb8;
	[tilespmem:$0xD800] =	vst v63  }
0x1d2: {  	_ =	swait.ge [sflag:s8], $0x4000  }
0x1d3: {  	[sflag:s8] =	ssyncset.done $0x0  }
0x1d4: {  	[sflag:s8] =	ssyncadd.s32 $0xFFFFC000  }
0x1d5: {  	[tilespmem:s9], [sflag:$0x1] =	stream.indirect.gather [hbm4b:s2+s5], $0x80, s5, s5, $0xb8;
	[tilespmem:$0xD800] =	vst v63  }
0x1d6: {  	_ = 	snop  }
0x1d7: {  	[hbm4b:s3+s5] =	stream.indirect.scatter [tilespmem:s6], [sflag:$0x2], $0x80, s28, s5, $0xb8;
	[tilespmem:$0xD800] =	vst v63  }
0x1d8: {  	_ =	swait.ge [sflag:s8], $0x4000  }
0x1d9: {  	[sflag:s8] =	ssyncset.done $0x0  }
0x1da: {  	[sflag:s8] =	ssyncadd.s32 $0xFFFFC000  }
0x1db: {  	_ =	swait.ge [sflag:s7], $0x4000  }
0x1dc: {  	[sflag:s7] =	ssyncset.done $0x0  }
0x1dd: {  	s30 =	rddreg [dreg:$0x14];
	[sflag:s7] =	ssyncadd.s32 $0xFFFFC000  }
0x1de: {  	[tilespmem:s6], [sflag:$0x1] =	stream.indirect.gather [hbm4b:s2+s5], $0x80, s30, s5, $0xb8;
	[tilespmem:$0xD800] =	vst v63  }
0x1df: {  	s31 =	rddreg [dreg:$0x15]  }
0x1e0: {  	[hbm4b:s3+s5] =	stream.indirect.scatter [tilespmem:s9], [sflag:$0x2], $0x80, s31, s5, $0xb8;
	[tilespmem:$0xD800] =	vst v63  }
0x1e1: {  	_ =	swait.ge [sflag:s8], $0x4000  }
0x1e2: {  	[sflag:s8] =	ssyncset.done $0x0  }
0x1e3: {  	[sflag:s8] =	ssyncadd.s32 $0xFFFFC000  }
0x1e4: {  	_ =	swait.ge [sflag:s7], $0x4000  }
0x1e5: {  	[sflag:s7] =	ssyncset.done $0x0  }
0x1e6: {  	s1 =	rddreg [dreg:$0x16];
	[sflag:s7] =	ssyncadd.s32 $0xFFFFC000  }
0x1e7: {  	[tilespmem:s9], [sflag:$0x1] =	stream.indirect.gather [hbm4b:s2+s5], $0x80, s1, s5, $0xb8;
	[tilespmem:$0xD800] =	vst v63  }
0x1e8: {  	s21 =	rddreg [dreg:$0x17]  }
0x1e9: {  	[hbm4b:s3+s5] =	stream.indirect.scatter [tilespmem:s6], [sflag:$0x2], $0x80, s21, s5, $0xb8;
	[tilespmem:$0xD800] =	vst v63  }
0x1ea: {  	_ =	swait.ge [sflag:s8], $0x4000  }
0x1eb: {  	[sflag:s8] =	ssyncset.done $0x0  }
0x1ec: {  	[sflag:s8] =	ssyncadd.s32 $0xFFFFC000  }
0x1ed: {  	_ =	swait.ge [sflag:s7], $0x4000  }
0x1ee: {  	[sflag:s7] =	ssyncset.done $0x0  }
0x1ef: {  	s28 =	rddreg [dreg:$0x18];
	[sflag:s7] =	ssyncadd.s32 $0xFFFFC000  }
0x1f0: {  	[tilespmem:s6], [sflag:$0x1] =	stream.indirect.gather [hbm4b:s2+s5], $0x80, s28, s5, $0xb8;
	[tilespmem:$0xD800] =	vst v63  }
0x1f1: {  	s29 =	rddreg [dreg:$0x19]  }
0x1f2: {  	[hbm4b:s3+s5] =	stream.indirect.scatter [tilespmem:s9], [sflag:$0x2], $0x80, s29, s5, $0xb8;
	[tilespmem:$0xD800] =	vst v63  }
0x1f3: {  	_ =	swait.ge [sflag:s8], $0x4000  }
0x1f4: {  	[sflag:s8] =	ssyncset.done $0x0  }
0x1f5: {  	[sflag:s8] =	ssyncadd.s32 $0xFFFFC000  }
0x1f6: {  	_ =	swait.ge [sflag:s7], $0x4000  }
0x1f7: {  	[sflag:s7] =	ssyncset.done $0x0  }
0x1f8: {  	s30 =	rddreg [dreg:$0x1a];
	[sflag:s7] =	ssyncadd.s32 $0xFFFFC000  }
0x1f9: {  	[tilespmem:s9], [sflag:$0x1] =	stream.indirect.gather [hbm4b:s2+s5], $0x80, s30, s5, $0xb8;
	[tilespmem:$0xD800] =	vst v63  }
0x1fa: {  	_ = 	snop  }
0x1fb: {  	[hbm4b:s3+s5] =	stream.indirect.scatter [tilespmem:s6], [sflag:$0x2], $0x80, s11, s5, $0xb8;
	[tilespmem:$0xD800] =	vst v63  }
0x1fc: {  	_ =	swait.ge [sflag:s8], $0x4000  }
0x1fd: {  	[sflag:s8] =	ssyncset.done $0x0  }
0x1fe: {  	[sflag:s8] =	ssyncadd.s32 $0xFFFFC000  }
0x1ff: {  	_ =	swait.ge [sflag:s7], $0x4000  }
0x200: {  	[sflag:s7] =	ssyncset.done $0x0  }
0x201: {  	[sflag:s7] =	ssyncadd.s32 $0xFFFFC000  }
0x202: {  	[tilespmem:s6], [sflag:$0x1] =	stream.indirect.gather [hbm4b:s2+s5], $0x80, s25, s5, $0xb8;
	[tilespmem:$0xD800] =	vst v63  }
0x203: {  	_ = 	snop  }
0x204: {  	[hbm4b:s3+s5] =	stream.indirect.scatter [tilespmem:s9], [sflag:$0x2], $0x80, s26, s5, $0xb8;
	[tilespmem:$0xD800] =	vst v63  }
0x205: {  	_ =	swait.ge [sflag:s8], $0x4000  }
0x206: {  	[sflag:s8] =	ssyncset.done $0x0  }
0x207: {  	[sflag:s8] =	ssyncadd.s32 $0xFFFFC000  }
0x208: {  	_ =	swait.ge [sflag:s7], $0x4000  }
0x209: {  	[sflag:s7] =	ssyncset.done $0x0  }
0x20a: {  	[sflag:s7] =	ssyncadd.s32 $0xFFFFC000  }
0x20b: {  	[tilespmem:s9], [sflag:$0x1] =	stream.indirect.gather [hbm4b:s2+s5], $0x80, s23, s5, $0xb8;
	[tilespmem:$0xD800] =	vst v63  }
0x20c: {  	_ = 	snop  }
0x20d: {  	[hbm4b:s3+s5] =	stream.indirect.scatter [tilespmem:s6], [sflag:$0x2], $0x80, s24, s5, $0xb8;
	[tilespmem:$0xD800] =	vst v63  }
0x20e: {  	_ =	swait.ge [sflag:s8], $0x4000  }
0x20f: {  	[sflag:s8] =	ssyncset.done $0x0  }
0x210: {  	[sflag:s8] =	ssyncadd.s32 $0xFFFFC000  }
0x211: {  	_ =	swait.ge [sflag:s7], $0x4000  }
0x212: {  	[sflag:s7] =	ssyncset.done $0x0  }
0x213: {  	[sflag:s7] =	ssyncadd.s32 $0xFFFFC000  }
0x214: {  	[tilespmem:s6], [sflag:$0x1] =	stream.indirect.gather [hbm4b:s2+s5], $0x80, s20, s5, $0xb8;
	[tilespmem:$0xD800] =	vst v63  }
0x215: {  	_ = 	snop  }
0x216: {  	[hbm4b:s3+s5] =	stream.indirect.scatter [tilespmem:s9], [sflag:$0x2], $0x80, s22, s5, $0xb8;
	[tilespmem:$0xD800] =	vst v63  }
0x217: {  	_ =	swait.ge [sflag:s8], $0x4000  }
0x218: {  	[sflag:s8] =	ssyncset.done $0x0  }
0x219: {  	[sflag:s8] =	ssyncadd.s32 $0xFFFFC000  }
0x21a: {  	_ =	swait.ge [sflag:s7], $0x4000  }
0x21b: {  	[sflag:s7] =	ssyncset.done $0x0  }
0x21c: {  	[sflag:s7] =	ssyncadd.s32 $0xFFFFC000  }
0x21d: {  	[tilespmem:s9], [sflag:$0x1] =	stream.indirect.gather [hbm4b:s2+s5], $0x80, s18, s5, $0xb8;
	[tilespmem:$0xD800] =	vst v63  }
0x21e: {  	_ = 	snop  }
0x21f: {  	[hbm4b:s3+s5] =	stream.indirect.scatter [tilespmem:s6], [sflag:$0x2], $0x80, s19, s5, $0xb8;
	[tilespmem:$0xD800] =	vst v63  }
0x220: {  	_ =	swait.ge [sflag:s8], $0x4000  }
0x221: {  	[sflag:s8] =	ssyncset.done $0x0  }
0x222: {  	[sflag:s8] =	ssyncadd.s32 $0xFFFFC000  }
0x223: {  	_ =	swait.ge [sflag:s7], $0x4000  }
0x224: {  	[sflag:s7] =	ssyncset.done $0x0  }
0x225: {  	[sflag:s7] =	ssyncadd.s32 $0xFFFFC000  }
0x226: {  	[tilespmem:s6], [sflag:$0x1] =	stream.indirect.gather [hbm4b:s2+s5], $0x80, s16, s5, $0xb8;
	[tilespmem:$0xD800] =	vst v63  }
0x227: {  	_ = 	snop  }
0x228: {  	[hbm4b:s3+s5] =	stream.indirect.scatter [tilespmem:s9], [sflag:$0x2], $0x80, s17, s5, $0xb8;
	[tilespmem:$0xD800] =	vst v63  }
0x229: {  	_ =	swait.ge [sflag:s8], $0x4000  }
0x22a: {  	[sflag:s8] =	ssyncset.done $0x0  }
0x22b: {  	[sflag:s8] =	ssyncadd.s32 $0xFFFFC000  }
0x22c: {  	_ =	swait.ge [sflag:s7], $0x4000  }
0x22d: {  	[sflag:s7] =	ssyncset.done $0x0  }
0x22e: {  	[sflag:s7] =	ssyncadd.s32 $0xFFFFC000  }
0x22f: {  	[tilespmem:s9], [sflag:$0x1] =	stream.indirect.gather [hbm4b:s2+s5], $0x80, s14, s5, $0xb8;
	[tilespmem:$0xD800] =	vst v63  }
0x230: {  	_ = 	snop  }
0x231: {  	[hbm4b:s3+s5] =	stream.indirect.scatter [tilespmem:s6], [sflag:$0x2], $0x80, s15, s5, $0xb8;
	[tilespmem:$0xD800] =	vst v63  }
0x232: {  	_ =	swait.ge [sflag:s8], $0x4000  }
0x233: {  	[sflag:s8] =	ssyncset.done $0x0  }
0x234: {  	[sflag:s8] =	ssyncadd.s32 $0xFFFFC000  }
0x235: {  	_ =	swait.ge [sflag:s7], $0x4000  }
0x236: {  	[sflag:s7] =	ssyncset.done $0x0  }
0x237: {  	[sflag:s7] =	ssyncadd.s32 $0xFFFFC000  }
0x238: {  	[tilespmem:s6], [sflag:$0x1] =	stream.indirect.gather [hbm4b:s2+s5], $0x80, s12, s5, $0xb8;
	[tilespmem:$0xD800] =	vst v63  }
0x239: {  	_ = 	snop  }
0x23a: {  	[hbm4b:s3+s5] =	stream.indirect.scatter [tilespmem:s9], [sflag:$0x2], $0x80, s13, s5, $0xb8;
	[tilespmem:$0xD800] =	vst v63  }
0x23b: {  	_ =	swait.ge [sflag:s8], $0x4000  }
0x23c: {  	[sflag:s8] =	ssyncset.done $0x0  }
0x23d: {  	s31 =	simm.s32 $0xE00;
	[sflag:s8] =	ssyncadd.s32 $0xFFFFC000  }
0x23e: {  	[hbm4b:s3+s5] =	stream.indirect.scatter [tilespmem:s6], [sflag:$0x2], $0x80, s31, s5, $0xb8;
	[tilespmem:$0xD800] =	vst v63  }
0x23f: {  	_ =	swait.ge [sflag:s7], $0x4000  }
0x240: {  	[sflag:s7] =	ssyncset.done $0x0  }
0x241: {  	[sflag:s7] =	ssyncadd.s32 $0xFFFFC000  }
0x242: {  	_ =	swait.ge [sflag:s7], $0x4000  }
0x243: {  	[sflag:s7] =	ssyncset.done $0x0  }
0x244: {  	[sflag:s7] =	ssyncadd.s32 $0xFFFFC000  }
0x245: {  	_ =	swait.ge [sflag:s4], $0x4000  }
0x246: {  	[sflag:s4] =	ssyncset.done $0x0  }
0x247: {  	[sflag:s4] =	ssyncadd.s32 $0xFFFFC000  }
0x248: {  	_ =	swait.ge [sflag:s4], $0x4000  }
0x249: {  	[sflag:s4] =	ssyncset.done $0x0  }
0x24a: {  	[sflag:s4] =	ssyncadd.s32 $0xFFFFC000  }
0x24b: {  	_ =	swait.ge [sflag:s4], $0x4000  }
0x24c: {  	[sflag:s4] =	ssyncset.done $0x0  }
0x24d: {  	[sflag:s4] =	ssyncadd.s32 $0xFFFFC000  }
0x24e: {  	_ =	swait.ge [sflag:s4], $0x4000  }
0x24f: {  	[sflag:s4] =	ssyncset.done $0x0  }
0x250: {  	[sflag:s4] =	ssyncadd.s32 $0xFFFFC000  }
0x251: {  	_ =	swait.ge [sflag:s4], $0x4000  }
0x252: {  	[sflag:s4] =	ssyncset.done $0x0  }
0x253: {  	[sflag:s4] =	ssyncadd.s32 $0xFFFFC000  }
0x254: {  	_ =	swait.ge [sflag:s4], $0x4000  }
0x255: {  	[sflag:s4] =	ssyncset.done $0x0  }
0x256: {  	[sflag:s4] =	ssyncadd.s32 $0xFFFFC000  }
0x257: {  	_ =	swait.ge [sflag:s4], $0x4000  }
0x258: {  	[sflag:s4] =	ssyncset.done $0x0  }
0x259: {  	[sflag:s4] =	ssyncadd.s32 $0xFFFFC000  }
0x25a: {  	_ =	swait.ge [sflag:s4], $0x4000  }
0x25b: {  	[sflag:s4] =	ssyncset.done $0x0  }
0x25c: {  	[sflag:s4] =	ssyncadd.s32 $0xFFFFC000  }
0x25d: {  	_ =	swait.ge [sflag:s4], $0x4000  }
0x25e: {  	[sflag:s4] =	ssyncset.done $0x0  }
0x25f: {  	[sflag:s4] =	ssyncadd.s32 $0xFFFFC000  }
0x260: {  	_ =	swait.ge [sflag:s4], $0x4000  }
0x261: {  	[sflag:s4] =	ssyncset.done $0x0  }
0x262: {  	[sflag:s4] =	ssyncadd.s32 $0xFFFFC000  }
0x263: {  	_ =	swait.ge [sflag:s4], $0x4000  }
0x264: {  	[sflag:s4] =	ssyncset.done $0x0  }
0x265: {  	[sflag:s4] =	ssyncadd.s32 $0xFFFFC000  }
0x266: {  	_ =	swait.ge [sflag:s4], $0x4000  }
0x267: {  	[sflag:s4] =	ssyncset.done $0x0  }
0x268: {  	[sflag:s4] =	ssyncadd.s32 $0xFFFFC000  }
0x269: {  	_ =	sfence.sel $0x180000  }
0x26a: {  	[bflag:$0x0] =	sbarrier.arrive $0xFFFF  }
0x26b: {  	_ =	strace $0x90000047  }
0x26c: {  	[bflag:$0x2] =	sbarrier.arrive $0xFFFF  }
0x26d: {  	p0 =	sne.s32 s10, $0x0;
	s0 =	rddreg [dreg:$0x4]  }
0x26e: {  	s0 =	sadd.s32 @!p0 $0x100000, s0  }
0x26f: {  	[sflag:s0] =	ssyncadd.tile.s32 @!p0 $0x1;
	_ =	shalt  }
.LBB2_1:
0x270: {  	s11 =	simm.s32 $0xA00  }
.Ltmp3:
0x271: {  	s26 =	simm.s32 $0xA80;
	s25 =	simm.s32 $0x300;
	(pc) =	sbr.rel .LBB2_6-.Ltmp3, $4  }
0x272: {  	s24 =	simm.s32 $0xB00;
	s23 =	simm.s32 $0x380;
	s22 =	simm.s32 $0xB80  }
0x273: {  	s20 =	simm.s32 $0x400;
	s19 =	simm.s32 $0xC00;
	s18 =	simm.s32 $0x480  }
0x274: {  	s17 =	simm.s32 $0xC80;
	s16 =	simm.s32 $0x500;
	s15 =	simm.s32 $0xD00  }
0x275: {  	s14 =	simm.s32 $0x580;
	s13 =	simm.s32 $0xD80;
	s12 =	simm.s32 $0x600  }
.LBB2_3:
0x276: {  	s11 =	simm.s32 $0xA00;
	s26 =	simm.s32 $0xA80  }
.Ltmp4:
0x277: {  	s25 =	simm.s32 $0x300;
	s24 =	simm.s32 $0xB00;
	(pc) =	sbr.rel .LBB2_6-.Ltmp4, $4  }
0x278: {  	s23 =	simm.s32 $0x380;
	s22 =	simm.s32 $0xB80;
	s20 =	simm.s32 $0x400  }
0x279: {  	s19 =	simm.s32 $0xC00;
	s18 =	simm.s32 $0x480;
	s17 =	simm.s32 $0xC80  }
0x27a: {  	s16 =	simm.s32 $0x500;
	s15 =	simm.s32 $0xD00;
	s14 =	simm.s32 $0x580  }
0x27b: {  	s13 =	simm.s32 $0xD80;
	s12 =	simm.s32 $0x600;
	s10 =	stileid.u32  }
.Lfunc_end2:
_tile_overlayer_lowered:
.L_overlay_start_2:
0x27c: {  	(tag) =	ssettag $0x2  }
0x27d: {  	s0 =	rddreg [dreg:$0x0];
	s2 =	stileid.u32  }
0x27e: {  	s1 =	rddreg [dreg:$0x1];
	p0 =	sne.s32 s2, $0x0  }
0x27f: {  	s3 =	rddreg [dreg:$0x2];
	[bflag:$0x3] =	sbarrier.arrive $0xFFFF;
	s2 =	simm.s32 @!p0 $0x1C04  }
0x280: {  	[timem:s3], [sflag:s2] =	dma.local @!p0 [hbm:s0], s1  }
0x281: {  	s0 =	simm.s32 @!p0 $0x4  }
0x282: {  	_ =	swait.ge @!p0 [sflag:s0], s1  }
0x283: {  	s1 =	ssub.s32 @!p0 $0x0, s1;
	[sflag:s0] =	ssyncset.done @!p0 $0x0  }
0x284: {  	[sflag:s0] =	ssyncadd.s32 @!p0 s1  }
0x285: {  	[bflag:$0x3] =	sbarrier.arrive $0xFFFF  }
0x286: {  	_ =	shalt  }

</sc_bundles>
